<compile_context>
chip_gen: v7x
topology: tpu7x:2x2x1
jax: 0.10.2.dev20260603
libtpu: 0.0.44.dev20260713+nightly
codegen_flags: <defaults>
</compile_context>

<pallas_src>
import jax
import jax.numpy as jnp
from jax import lax
from jax.experimental import pallas as pl
from jax.experimental.pallas import tpu as pltpu
from jax.experimental.pallas import tpu_sc as plsc

_ROWS = 16
_N = 1048576
_C = 262144
_NW = 32
_WPR = _NW // _ROWS
_SEG = _C // _WPR
_CH = 16384
_NCHUNK = _SEG // _CH
_U = 16
_L = 16
_TBLK = 65536


def _sc_count_body(ri_hbm, rj_hbm, out_hbm,
                   bi0, bi1, bj0, bj1, stage, si0, si1, sj0, sj1):
    w = lax.axis_index("s") * 2 + lax.axis_index("c")
    r = w // _WPR
    col0 = (w % _WPR) * _SEG
    bi = (bi0, bi1)
    bj = (bj0, bj1)
    si = (si0, si1)
    sj = (sj0, sj1)

    def start(c, b):
        off = col0 + c * _CH
        pltpu.make_async_copy(ri_hbm.at[r, pl.ds(off, _CH)], bi[b], si[b]).start()
        pltpu.make_async_copy(rj_hbm.at[r, pl.ds(off, _CH)], bj[b], sj[b]).start()

    def wait(c, b):
        off = col0 + c * _CH
        pltpu.make_async_copy(ri_hbm.at[r, pl.ds(off, _CH)], bi[b], si[b]).wait()
        pltpu.make_async_copy(rj_hbm.at[r, pl.ds(off, _CH)], bj[b], sj[b]).wait()

    one = jnp.ones((_L,), jnp.int32)
    zero = jnp.zeros((_L,), jnp.int32)

    def compute(bib, bjb, accs):
        def inner(k, accs2):
            acc = list(accs2)
            base = k * (_U * _L)
            for u in range(_U):
                o = base + u * _L
                p = u % 2
                xi = bib[pl.ds(o, _L)]
                xj = bjb[pl.ds(o, _L)]
                s = xi + xj
                acc[p] = acc[p] + jnp.where(xi > 0, one, zero)
                acc[2 + p] = acc[2 + p] + jnp.where(xj > 0, one, zero)
                acc[4 + p] = acc[4 + p] + jnp.where(s > 0, one, zero)
            return tuple(acc)

        return lax.fori_loop(0, _CH // (_U * _L), inner, accs)

    def step(c, b, accs):
        wait(c, b)

        @pl.when(c + 1 < _NCHUNK)
        def _():
            start(c + 1, 1 - b)

        return compute(bi[b], bj[b], accs)

    start(0, 0)

    def pair(c2, accs):
        c = 2 * c2
        accs = step(c, 0, accs)
        return step(c + 1, 1, accs)

    z = jnp.zeros((_L,), jnp.int32)
    accs = lax.fori_loop(0, _NCHUNK // 2, pair, (z,) * 6)

    stage[pl.ds(0, _L)] = accs[0] + accs[1]
    stage[pl.ds(_L, _L)] = accs[2] + accs[3]
    stage[pl.ds(2 * _L, _L)] = accs[4] + accs[5]
    pltpu.sync_copy(stage, out_hbm.at[w])


_SC_COUNTS_CACHE = []


def _sc_counts(ri, rj):
    if not _SC_COUNTS_CACHE:
        _SC_COUNTS_CACHE.append(pl.kernel(
            _sc_count_body,
            out_type=jax.ShapeDtypeStruct((_NW, 3 * _L), jnp.int32),
            mesh=plsc.VectorSubcoreMesh(
                core_axis_name="c", subcore_axis_name="s",
                num_cores=2, num_subcores=16),
            scratch_types=[
                pltpu.VMEM((_CH,), jnp.float32),
                pltpu.VMEM((_CH,), jnp.float32),
                pltpu.VMEM((_CH,), jnp.float32),
                pltpu.VMEM((_CH,), jnp.float32),
                pltpu.VMEM((3 * _L,), jnp.int32),
                pltpu.SemaphoreType.DMA,
                pltpu.SemaphoreType.DMA,
                pltpu.SemaphoreType.DMA,
                pltpu.SemaphoreType.DMA,
            ],
        ))
    return _SC_COUNTS_CACHE[0](ri, rj)


def _H(cnt):
    denom = jnp.float32(_N) + jnp.float32(1e-8)
    p1 = cnt / denom
    p0 = (jnp.float32(_N) - cnt) / denom
    log2e = jnp.float32(1.4426950408889634)
    t1 = jnp.where(p1 > 0, p1 * (jnp.log(p1 + 1e-10) * log2e), 0.0)
    t0 = jnp.where(p0 > 0, p0 * (jnp.log(p0 + 1e-10) * log2e), 0.0)
    return -(t0 + t1)


def _tc_count_body(xi_ref, xj_ref, out_ref):
    @pl.when(pl.program_id(1) == 0)
    def _():
        out_ref[...] = jnp.zeros_like(out_ref)

    xi = xi_ref[...]
    xj = xj_ref[...]
    s = xi + xj
    one = jnp.float32(1.0)
    zero = jnp.float32(0.0)
    ci = jnp.sum(jnp.where(xi > 0, one, zero), axis=1, keepdims=True)
    cj = jnp.sum(jnp.where(xj > 0, one, zero), axis=1, keepdims=True)
    cs = jnp.sum(jnp.where(s > 0, one, zero), axis=1, keepdims=True)
    out_ref[0, 0] += ci
    out_ref[0, 1] += cj
    out_ref[0, 2] += cs


def _tc_counts(ri_tc, rj_tc):
    nblk = (_N - _C) // _TBLK // 2
    c0 = _C // _TBLK
    return pl.pallas_call(
        _tc_count_body,
        grid=(2, nblk),
        in_specs=[
            pl.BlockSpec((_ROWS, _TBLK), lambda c, i: (0, c0 + c * nblk + i)),
            pl.BlockSpec((_ROWS, _TBLK), lambda c, i: (0, c0 + c * nblk + i)),
        ],
        out_specs=pl.BlockSpec((1, 3, _ROWS, 1), lambda c, i: (c, 0, 0, 0)),
        out_shape=jax.ShapeDtypeStruct((2, 3, _ROWS, 1), jnp.float32),
        compiler_params=pltpu.CompilerParams(
            dimension_semantics=("parallel", "arbitrary")),
    )(ri_tc, rj_tc)


def _entropy_body(sc_ref, tc_ref, out_ref):
    c = sc_ref[...].astype(jnp.float32)
    csum = jnp.sum(c.reshape(_ROWS, _WPR, 3 * _L), axis=1)
    ci = jnp.sum(csum[:, 0:_L], axis=1, keepdims=True)
    cj = jnp.sum(csum[:, _L:2 * _L], axis=1, keepdims=True)
    cs = jnp.sum(csum[:, 2 * _L:3 * _L], axis=1, keepdims=True)
    tc = tc_ref[0] + tc_ref[1]
    ti = ci + tc[0]
    tj = cj + tc[1]
    ts = cs + tc[2]
    out_ref[...] = _H(ts) - _H(ti) - _H(tj)


def _entropy(sc_cnts, tc_cnts):
    return pl.pallas_call(
        _entropy_body,
        out_shape=jax.ShapeDtypeStruct((_ROWS, 1), jnp.float32),
    )(sc_cnts, tc_cnts)


def kernel(residue_i, residue_j):
    tc_cnts = _tc_counts(residue_i, residue_j)
    sc_cnts = _sc_counts(residue_i, residue_j)
    c = sc_cnts.astype(jnp.float32)
    csum = jnp.sum(c.reshape(_ROWS, _WPR, 3 * _L), axis=1)
    ci = jnp.sum(csum[:, 0:_L], axis=1, keepdims=True)
    cj = jnp.sum(csum[:, _L:2 * _L], axis=1, keepdims=True)
    cs = jnp.sum(csum[:, 2 * _L:3 * _L], axis=1, keepdims=True)
    tc = tc_cnts[0] + tc_cnts[1]
    return (_H(cs + tc[2]) - _H(ci + tc[0]) - _H(cj + tc[1])).reshape(_ROWS)

# --- scband reference (transcript-rebuilt; emitter-appended) ---
"""Pipeline reference for scband-continuous-coprimality-88304527606073 (READ-ONLY COPY).

The authoritative reference and input builder live on the scoring server;
editing this copy changes nothing except your own understanding.
"""

import jax, jax.numpy as jnp
import numpy as np


def _entropy_binary(vals):
    # quantize: binary outcomes (values > 0), as in DiscreteEntropyComputer(use_binary=True)
    q = (vals > 0).astype(jnp.int32).ravel()
    # bincount over the (shifted) quantized outcomes; binary -> 2 outcomes
    counts = jnp.bincount(q, length=2).astype(jnp.float32)
    n = q.size
    probs = counts / (n + 1e-08)
    # probs = probs[probs > 0]; entropy = -(p * log2(p + 1e-10)).sum()
    terms = jnp.where(probs > 0, probs * jnp.log2(probs + 1e-10), 0.0)
    return -jnp.sum(terms)


def setup_inputs(seed: int = 0) -> dict:
    key = jax.random.key(seed)
    k1, k2 = jax.random.split(key)
    residue_i = jax.random.normal(k1, (16, 1048576), dtype=jnp.float32)
    residue_j = jax.random.normal(k2, (16, 1048576), dtype=jnp.float32)
    return {"residue_i": residue_i, "residue_j": residue_j}


def reference(residue_i, residue_j):
    # compute_entropy_pressure: E(r_i, r_j) = H(r_i + r_j) - H(r_i) - H(r_j)
    # compute_entropy_batch: per-batch-row entropy over flattened features
    H_i = jax.vmap(_entropy_binary)(residue_i)
    H_j = jax.vmap(_entropy_binary)(residue_j)
    residue_sum = residue_i + residue_j
    H_ij = jax.vmap(_entropy_binary)(residue_sum)
    E = H_ij - H_i - H_j
    return E

if __name__ == "__main__":
    import jax
    _d = setup_inputs()
    print(jax.jit(kernel)(*tuple(_d.values())))

</pallas_src>

<mosaic_0001>
#map = affine_map<(d0, d1) -> (0, 0)>
module attributes {stable_mosaic.version = 14 : i64} {
  func.func @_sc_count_body(%arg0: i32, %arg1: i32, %arg2: memref<16x1048576xf32, #tpu.memory_space<hbm>>, %arg3: memref<16x1048576xf32, #tpu.memory_space<hbm>>, %arg4: memref<32x48xi32, #tpu.memory_space<hbm>>, %arg5: memref<16384xf32, #tpu.memory_space<vmem>>, %arg6: memref<16384xf32, #tpu.memory_space<vmem>>, %arg7: memref<16384xf32, #tpu.memory_space<vmem>>, %arg8: memref<16384xf32, #tpu.memory_space<vmem>>, %arg9: memref<48xi32, #tpu.memory_space<vmem>>, %arg10: memref<!tpu.dma_semaphore, #tpu.memory_space<semaphore_mem>>, %arg11: memref<!tpu.dma_semaphore, #tpu.memory_space<semaphore_mem>>, %arg12: memref<!tpu.dma_semaphore, #tpu.memory_space<semaphore_mem>>, %arg13: memref<!tpu.dma_semaphore, #tpu.memory_space<semaphore_mem>>) attributes {dimension_semantics = [#tpu.dimension_semantics<core_parallel>, #tpu.dimension_semantics<subcore_parallel>], iteration_bounds = array<i64: 2, 16>, scalar_prefetch = 0 : i64, scratch_operands = 9 : i64, tpu.core_type = #tpu.core_type<sc_vector_subcore>, window_params = [{transform_indices = #map}, {transform_indices = #map}, {transform_indices = #map}]} {
    %mul3A = arith.constant 2 : i32
    %mul3A_0 = arith.muli %arg1, %mul3A : i32
    %add3A = arith.addi %mul3A_0, %arg0 : i32
    %jit3A = arith.constant 2 : i32
    %div3A = arith.divsi %add3A, %jit3A : i32
    %sign3A = arith.constant 0 : i32
    %sign3A_1 = arith.cmpi sgt, %add3A, %sign3A : i32
    %sign3A_2 = arith.extui %sign3A_1 : i1 to i32
    %sign3A_3 = arith.constant 0 : i32
    %sign3A_4 = arith.cmpi slt, %add3A, %sign3A_3 : i32
    %sign3A_5 = arith.extui %sign3A_4 : i1 to i32
    %sign3A_6 = arith.subi %sign3A_2, %sign3A_5 : i32
    %sign3A_7 = arith.constant 0 : i32
    %sign3A_8 = arith.cmpi sgt, %jit3A, %sign3A_7 : i32
    %sign3A_9 = arith.extui %sign3A_8 : i1 to i32
    %sign3A_10 = arith.constant 0 : i32
    %sign3A_11 = arith.cmpi slt, %jit3A, %sign3A_10 : i32
    %sign3A_12 = arith.extui %sign3A_11 : i1 to i32
    %sign3A_13 = arith.subi %sign3A_9, %sign3A_12 : i32
    %ne3A = arith.cmpi ne, %sign3A_6, %sign3A_13 : i32
    %rem3A = arith.remsi %add3A, %jit3A : i32
    %ne3A_14 = arith.constant 0 : i32
    %ne3A_15 = arith.cmpi ne, %rem3A, %ne3A_14 : i32
    %and3A = arith.andi %ne3A, %ne3A_15 : i1
    %sub3A = arith.constant 1 : i32
    %sub3A_16 = arith.subi %div3A, %sub3A : i32
    %select_n3A = arith.select %and3A, %sub3A_16, %div3A : i32
    %jit3A_17 = arith.constant 2 : i32
    %eq3A = arith.constant 0 : i32
    %eq3A_18 = arith.cmpi eq, %jit3A_17, %eq3A : i32
    %jit3A_19 = arith.constant 1 : i32
    %select_n3A_20 = arith.select %eq3A_18, %jit3A_19, %jit3A_17 : i32
    %rem3A_21 = arith.remsi %add3A, %select_n3A_20 : i32
    %ne3A_22 = arith.constant 0 : i32
    %ne3A_23 = arith.cmpi ne, %rem3A_21, %ne3A_22 : i32
    %lt3A = arith.constant 0 : i32
    %lt3A_24 = arith.cmpi slt, %rem3A_21, %lt3A : i32
    %lt3A_25 = arith.constant 0 : i32
    %lt3A_26 = arith.cmpi slt, %select_n3A_20, %lt3A_25 : i32
    %ne3A_27 = arith.xori %lt3A_24, %lt3A_26 : i1
    %and3A_28 = arith.andi %ne3A_27, %ne3A_23 : i1
    %add3A_29 = arith.addi %rem3A_21, %select_n3A_20 : i32
    %select_n3A_30 = arith.select %and3A_28, %add3A_29, %rem3A_21 : i32
    %mul3A_31 = arith.constant 131072 : i32
    %mul3A_32 = arith.muli %select_n3A_30, %mul3A_31 : i32
    %broadcast_in_dim3A = arith.constant 1 : i32
    %broadcast_in_dim3A_33 = vector.broadcast %broadcast_in_dim3A : i32 to vector<16xi32>
    %broadcast_in_dim3A_34 = arith.constant 0 : i32
    %broadcast_in_dim3A_35 = vector.broadcast %broadcast_in_dim3A_34 : i32 to vector<16xi32>
    %add3A_36 = arith.constant 0 : i32
    %add3A_37 = arith.addi %mul3A_32, %add3A_36 : i32
    %dma_start3A = tpu.memref_slice %arg2[%select_n3A, %add3A_37] : memref<16x1048576xf32, #tpu.memory_space<hbm>> -> memref<1x16384xf32, #tpu.memory_space<hbm>>
    %dma_start3A_38 = tpu.memref_squeeze %dma_start3A : memref<1x16384xf32, #tpu.memory_space<hbm>> -> memref<16384xf32, #tpu.memory_space<hbm>>
    %dma_start3A_39 = tpu.memref_slice %arg2[%select_n3A, %add3A_37] : memref<16x1048576xf32, #tpu.memory_space<hbm>> -> memref<1x16384xf32, #tpu.memory_space<hbm>>
    %dma_start3A_40 = tpu.memref_squeeze %dma_start3A_39 : memref<1x16384xf32, #tpu.memory_space<hbm>> -> memref<16384xf32, #tpu.memory_space<hbm>>
    tpu.enqueue_dma source(%dma_start3A_40 : memref<16384xf32, #tpu.memory_space<hbm>>) target(%arg5 : memref<16384xf32, #tpu.memory_space<vmem>>) target_semaphore(%arg10 : memref<!tpu.dma_semaphore, #tpu.memory_space<semaphore_mem>>)
    %dma_start3A_41 = tpu.memref_slice %arg3[%select_n3A, %add3A_37] : memref<16x1048576xf32, #tpu.memory_space<hbm>> -> memref<1x16384xf32, #tpu.memory_space<hbm>>
    %dma_start3A_42 = tpu.memref_squeeze %dma_start3A_41 : memref<1x16384xf32, #tpu.memory_space<hbm>> -> memref<16384xf32, #tpu.memory_space<hbm>>
    %dma_start3A_43 = tpu.memref_slice %arg3[%select_n3A, %add3A_37] : memref<16x1048576xf32, #tpu.memory_space<hbm>> -> memref<1x16384xf32, #tpu.memory_space<hbm>>
    %dma_start3A_44 = tpu.memref_squeeze %dma_start3A_43 : memref<1x16384xf32, #tpu.memory_space<hbm>> -> memref<16384xf32, #tpu.memory_space<hbm>>
    tpu.enqueue_dma source(%dma_start3A_44 : memref<16384xf32, #tpu.memory_space<hbm>>) target(%arg7 : memref<16384xf32, #tpu.memory_space<vmem>>) target_semaphore(%arg12 : memref<!tpu.dma_semaphore, #tpu.memory_space<semaphore_mem>>)
    %broadcast_in_dim3A_45 = arith.constant 0 : i32
    %broadcast_in_dim3A_46 = vector.broadcast %broadcast_in_dim3A_45 : i32 to vector<16xi32>
    %scan3A = arith.constant 0 : i32
    %scan3A_47 = arith.constant 4 : i32
    %scan3A_48 = arith.addi %scan3A, %scan3A_47 : i32
    %scan3A_49 = arith.constant 1 : i32
    %scan3A_50:6 = scf.for %scan3A_66 = %scan3A to %scan3A_48 step %scan3A_49 iter_args(%scan3A_67 = %broadcast_in_dim3A_46, %scan3A_68 = %broadcast_in_dim3A_46, %scan3A_69 = %broadcast_in_dim3A_46, %scan3A_70 = %broadcast_in_dim3A_46, %scan3A_71 = %broadcast_in_dim3A_46, %scan3A_72 = %broadcast_in_dim3A_46) -> (vector<16xi32>, vector<16xi32>, vector<16xi32>, vector<16xi32>, vector<16xi32>, vector<16xi32>)  : i32 {
      %mul3A_73 = arith.constant 2 : i32
      %mul3A_74 = arith.muli %mul3A_73, %scan3A_66 : i32
      %mul3A_75 = arith.constant 16384 : i32
      %mul3A_76 = arith.muli %mul3A_74, %mul3A_75 : i32
      %add3A_77 = arith.addi %mul3A_32, %mul3A_76 : i32
      %dma_wait3A = tpu.memref_slice %arg2[%select_n3A, %add3A_77] : memref<16x1048576xf32, #tpu.memory_space<hbm>> -> memref<1x16384xf32, #tpu.memory_space<hbm>>
      %dma_wait3A_78 = tpu.memref_squeeze %dma_wait3A : memref<1x16384xf32, #tpu.memory_space<hbm>> -> memref<16384xf32, #tpu.memory_space<hbm>>
      %dma_wait3A_79 = tpu.memref_slice %arg2[%select_n3A, %add3A_77] : memref<16x1048576xf32, #tpu.memory_space<hbm>> -> memref<1x16384xf32, #tpu.memory_space<hbm>>
      %dma_wait3A_80 = tpu.memref_squeeze %dma_wait3A_79 : memref<1x16384xf32, #tpu.memory_space<hbm>> -> memref<16384xf32, #tpu.memory_space<hbm>>
      tpu.wait_dma2 semaphore(%arg10 : memref<!tpu.dma_semaphore, #tpu.memory_space<semaphore_mem>>) src(%dma_wait3A_80 : memref<16384xf32, #tpu.memory_space<hbm>>) dst(%arg5 : memref<16384xf32, #tpu.memory_space<vmem>>)
      %dma_wait3A_81 = tpu.memref_slice %arg3[%select_n3A, %add3A_77] : memref<16x1048576xf32, #tpu.memory_space<hbm>> -> memref<1x16384xf32, #tpu.memory_space<hbm>>
      %dma_wait3A_82 = tpu.memref_squeeze %dma_wait3A_81 : memref<1x16384xf32, #tpu.memory_space<hbm>> -> memref<16384xf32, #tpu.memory_space<hbm>>
      %dma_wait3A_83 = tpu.memref_slice %arg3[%select_n3A, %add3A_77] : memref<16x1048576xf32, #tpu.memory_space<hbm>> -> memref<1x16384xf32, #tpu.memory_space<hbm>>
      %dma_wait3A_84 = tpu.memref_squeeze %dma_wait3A_83 : memref<1x16384xf32, #tpu.memory_space<hbm>> -> memref<16384xf32, #tpu.memory_space<hbm>>
      tpu.wait_dma2 semaphore(%arg12 : memref<!tpu.dma_semaphore, #tpu.memory_space<semaphore_mem>>) src(%dma_wait3A_84 : memref<16384xf32, #tpu.memory_space<hbm>>) dst(%arg7 : memref<16384xf32, #tpu.memory_space<vmem>>)
      %add3A_85 = arith.constant 1 : i32
      %add3A_86 = arith.addi %mul3A_74, %add3A_85 : i32
      %lt3A_87 = arith.constant 8 : i32
      %lt3A_88 = arith.cmpi slt, %add3A_86, %lt3A_87 : i32
      %convert_element_type3A = arith.extui %lt3A_88 : i1 to i32
      %cond3A = arith.constant 0 : i32
      %cond3A_89 = arith.cmpi ne, %convert_element_type3A, %cond3A : i32
      scf.if %cond3A_89 {
        %add3A_122 = arith.constant 1 : i32
        %add3A_123 = arith.addi %mul3A_74, %add3A_122 : i32
        %mul3A_124 = arith.constant 16384 : i32
        %mul3A_125 = arith.muli %add3A_123, %mul3A_124 : i32
        %add3A_126 = arith.addi %mul3A_32, %mul3A_125 : i32
        %dma_start3A_127 = tpu.memref_slice %arg2[%select_n3A, %add3A_126] : memref<16x1048576xf32, #tpu.memory_space<hbm>> -> memref<1x16384xf32, #tpu.memory_space<hbm>>
        %dma_start3A_128 = tpu.memref_squeeze %dma_start3A_127 : memref<1x16384xf32, #tpu.memory_space<hbm>> -> memref<16384xf32, #tpu.memory_space<hbm>>
        %dma_start3A_129 = tpu.memref_slice %arg2[%select_n3A, %add3A_126] : memref<16x1048576xf32, #tpu.memory_space<hbm>> -> memref<1x16384xf32, #tpu.memory_space<hbm>>
        %dma_start3A_130 = tpu.memref_squeeze %dma_start3A_129 : memref<1x16384xf32, #tpu.memory_space<hbm>> -> memref<16384xf32, #tpu.memory_space<hbm>>
        tpu.enqueue_dma source(%dma_start3A_130 : memref<16384xf32, #tpu.memory_space<hbm>>) target(%arg6 : memref<16384xf32, #tpu.memory_space<vmem>>) target_semaphore(%arg11 : memref<!tpu.dma_semaphore, #tpu.memory_space<semaphore_mem>>)
        %dma_start3A_131 = tpu.memref_slice %arg3[%select_n3A, %add3A_126] : memref<16x1048576xf32, #tpu.memory_space<hbm>> -> memref<1x16384xf32, #tpu.memory_space<hbm>>
        %dma_start3A_132 = tpu.memref_squeeze %dma_start3A_131 : memref<1x16384xf32, #tpu.memory_space<hbm>> -> memref<16384xf32, #tpu.memory_space<hbm>>
        %dma_start3A_133 = tpu.memref_slice %arg3[%select_n3A, %add3A_126] : memref<16x1048576xf32, #tpu.memory_space<hbm>> -> memref<1x16384xf32, #tpu.memory_space<hbm>>
        %dma_start3A_134 = tpu.memref_squeeze %dma_start3A_133 : memref<1x16384xf32, #tpu.memory_space<hbm>> -> memref<16384xf32, #tpu.memory_space<hbm>>
        tpu.enqueue_dma source(%dma_start3A_134 : memref<16384xf32, #tpu.memory_space<hbm>>) target(%arg8 : memref<16384xf32, #tpu.memory_space<vmem>>) target_semaphore(%arg13 : memref<!tpu.dma_semaphore, #tpu.memory_space<semaphore_mem>>)
      } else {
      }
      %scan3A_90 = arith.constant 0 : i32
      %scan3A_91 = arith.constant 64 : i32
      %scan3A_92 = arith.addi %scan3A_90, %scan3A_91 : i32
      %scan3A_93 = arith.constant 1 : i32
      %scan3A_94:6 = scf.for %scan3A_122 = %scan3A_90 to %scan3A_92 step %scan3A_93 iter_args(%scan3A_123 = %scan3A_67, %scan3A_124 = %scan3A_68, %scan3A_125 = %scan3A_69, %scan3A_126 = %scan3A_70, %scan3A_127 = %scan3A_71, %scan3A_128 = %scan3A_72) -> (vector<16xi32>, vector<16xi32>, vector<16xi32>, vector<16xi32>, vector<16xi32>, vector<16xi32>)  : i32 {
        %mul3A_129 = arith.constant 256 : i32
        %mul3A_130 = arith.muli %scan3A_122, %mul3A_129 : i32
        %add3A_131 = arith.constant 0 : i32
        %add3A_132 = arith.addi %mul3A_130, %add3A_131 : i32
        %get3A = arith.index_cast %add3A_132 : i32 to index
        %get3A_133 = tpu.vector_load %arg5[%get3A] {strides = array<i32>} : memref<16384xf32, #tpu.memory_space<vmem>>, vector<16xf32>,
        %get3A_134 = vector.shape_cast %get3A_133 : vector<16xf32> to vector<16xf32>
        %get3A_135 = arith.index_cast %add3A_132 : i32 to index
        %get3A_136 = tpu.vector_load %arg7[%get3A_135] {strides = array<i32>} : memref<16384xf32, #tpu.memory_space<vmem>>, vector<16xf32>,
        %get3A_137 = vector.shape_cast %get3A_136 : vector<16xf32> to vector<16xf32>
        %add3A_138 = arith.addf %get3A_134, %get3A_137 : vector<16xf32>
        %gt3A = arith.constant 0.000000e+00 : f32
        %gt3A_139 = vector.broadcast %gt3A : f32 to vector<16xf32>
        %gt3A_140 = arith.cmpf ogt, %get3A_134, %gt3A_139 : vector<16xf32>
        %select_n3A_141 = arith.select %gt3A_140, %broadcast_in_dim3A_33, %broadcast_in_dim3A_35 : vector<16xi1>, vector<16xi32>
        %add3A_142 = arith.addi %scan3A_123, %select_n3A_141 : vector<16xi32>
        %gt3A_143 = arith.constant 0.000000e+00 : f32
        %gt3A_144 = vector.broadcast %gt3A_143 : f32 to vector<16xf32>
        %gt3A_145 = arith.cmpf ogt, %get3A_137, %gt3A_144 : vector<16xf32>
        %select_n3A_146 = arith.select %gt3A_145, %broadcast_in_dim3A_33, %broadcast_in_dim3A_35 : vector<16xi1>, vector<16xi32>
        %add3A_147 = arith.addi %scan3A_125, %select_n3A_146 : vector<16xi32>
        %gt3A_148 = arith.constant 0.000000e+00 : f32
        %gt3A_149 = vector.broadcast %gt3A_148 : f32 to vector<16xf32>
        %gt3A_150 = arith.cmpf ogt, %add3A_138, %gt3A_149 : vector<16xf32>
        %select_n3A_151 = arith.select %gt3A_150, %broadcast_in_dim3A_33, %broadcast_in_dim3A_35 : vector<16xi1>, vector<16xi32>
        %add3A_152 = arith.addi %scan3A_127, %select_n3A_151 : vector<16xi32>
        %add3A_153 = arith.constant 16 : i32
        %add3A_154 = arith.addi %mul3A_130, %add3A_153 : i32
        %get3A_155 = arith.index_cast %add3A_154 : i32 to index
        %get3A_156 = tpu.vector_load %arg5[%get3A_155] {strides = array<i32>} : memref<16384xf32, #tpu.memory_space<vmem>>, vector<16xf32>,
        %get3A_157 = vector.shape_cast %get3A_156 : vector<16xf32> to vector<16xf32>
        %get3A_158 = arith.index_cast %add3A_154 : i32 to index
        %get3A_159 = tpu.vector_load %arg7[%get3A_158] {strides = array<i32>} : memref<16384xf32, #tpu.memory_space<vmem>>, vector<16xf32>,
        %get3A_160 = vector.shape_cast %get3A_159 : vector<16xf32> to vector<16xf32>
        %add3A_161 = arith.addf %get3A_157, %get3A_160 : vector<16xf32>
        %gt3A_162 = arith.constant 0.000000e+00 : f32
        %gt3A_163 = vector.broadcast %gt3A_162 : f32 to vector<16xf32>
        %gt3A_164 = arith.cmpf ogt, %get3A_157, %gt3A_163 : vector<16xf32>
        %select_n3A_165 = arith.select %gt3A_164, %broadcast_in_dim3A_33, %broadcast_in_dim3A_35 : vector<16xi1>, vector<16xi32>
        %add3A_166 = arith.addi %scan3A_124, %select_n3A_165 : vector<16xi32>
        %gt3A_167 = arith.constant 0.000000e+00 : f32
        %gt3A_168 = vector.broadcast %gt3A_167 : f32 to vector<16xf32>
        %gt3A_169 = arith.cmpf ogt, %get3A_160, %gt3A_168 : vector<16xf32>
        %select_n3A_170 = arith.select %gt3A_169, %broadcast_in_dim3A_33, %broadcast_in_dim3A_35 : vector<16xi1>, vector<16xi32>
        %add3A_171 = arith.addi %scan3A_126, %select_n3A_170 : vector<16xi32>
        %gt3A_172 = arith.constant 0.000000e+00 : f32
        %gt3A_173 = vector.broadcast %gt3A_172 : f32 to vector<16xf32>
        %gt3A_174 = arith.cmpf ogt, %add3A_161, %gt3A_173 : vector<16xf32>
        %select_n3A_175 = arith.select %gt3A_174, %broadcast_in_dim3A_33, %broadcast_in_dim3A_35 : vector<16xi1>, vector<16xi32>
        %add3A_176 = arith.addi %scan3A_128, %select_n3A_175 : vector<16xi32>
        %add3A_177 = arith.constant 32 : i32
        %add3A_178 = arith.addi %mul3A_130, %add3A_177 : i32
        %get3A_179 = arith.index_cast %add3A_178 : i32 to index
        %get3A_180 = tpu.vector_load %arg5[%get3A_179] {strides = array<i32>} : memref<16384xf32, #tpu.memory_space<vmem>>, vector<16xf32>,
        %get3A_181 = vector.shape_cast %get3A_180 : vector<16xf32> to vector<16xf32>
        %get3A_182 = arith.index_cast %add3A_178 : i32 to index
        %get3A_183 = tpu.vector_load %arg7[%get3A_182] {strides = array<i32>} : memref<16384xf32, #tpu.memory_space<vmem>>, vector<16xf32>,
        %get3A_184 = vector.shape_cast %get3A_183 : vector<16xf32> to vector<16xf32>
        %add3A_185 = arith.addf %get3A_181, %get3A_184 : vector<16xf32>
        %gt3A_186 = arith.constant 0.000000e+00 : f32
        %gt3A_187 = vector.broadcast %gt3A_186 : f32 to vector<16xf32>
        %gt3A_188 = arith.cmpf ogt, %get3A_181, %gt3A_187 : vector<16xf32>
        %select_n3A_189 = arith.select %gt3A_188, %broadcast_in_dim3A_33, %broadcast_in_dim3A_35 : vector<16xi1>, vector<16xi32>
        %add3A_190 = arith.addi %add3A_142, %select_n3A_189 : vector<16xi32>
        %gt3A_191 = arith.constant 0.000000e+00 : f32
        %gt3A_192 = vector.broadcast %gt3A_191 : f32 to vector<16xf32>
        %gt3A_193 = arith.cmpf ogt, %get3A_184, %gt3A_192 : vector<16xf32>
        %select_n3A_194 = arith.select %gt3A_193, %broadcast_in_dim3A_33, %broadcast_in_dim3A_35 : vector<16xi1>, vector<16xi32>
        %add3A_195 = arith.addi %add3A_147, %select_n3A_194 : vector<16xi32>
        %gt3A_196 = arith.constant 0.000000e+00 : f32
        %gt3A_197 = vector.broadcast %gt3A_196 : f32 to vector<16xf32>
        %gt3A_198 = arith.cmpf ogt, %add3A_185, %gt3A_197 : vector<16xf32>
        %select_n3A_199 = arith.select %gt3A_198, %broadcast_in_dim3A_33, %broadcast_in_dim3A_35 : vector<16xi1>, vector<16xi32>
        %add3A_200 = arith.addi %add3A_152, %select_n3A_199 : vector<16xi32>
        %add3A_201 = arith.constant 48 : i32
        %add3A_202 = arith.addi %mul3A_130, %add3A_201 : i32
        %get3A_203 = arith.index_cast %add3A_202 : i32 to index
        %get3A_204 = tpu.vector_load %arg5[%get3A_203] {strides = array<i32>} : memref<16384xf32, #tpu.memory_space<vmem>>, vector<16xf32>,
        %get3A_205 = vector.shape_cast %get3A_204 : vector<16xf32> to vector<16xf32>
        %get3A_206 = arith.index_cast %add3A_202 : i32 to index
        %get3A_207 = tpu.vector_load %arg7[%get3A_206] {strides = array<i32>} : memref<16384xf32, #tpu.memory_space<vmem>>, vector<16xf32>,
        %get3A_208 = vector.shape_cast %get3A_207 : vector<16xf32> to vector<16xf32>
        %add3A_209 = arith.addf %get3A_205, %get3A_208 : vector<16xf32>
        %gt3A_210 = arith.constant 0.000000e+00 : f32
        %gt3A_211 = vector.broadcast %gt3A_210 : f32 to vector<16xf32>
        %gt3A_212 = arith.cmpf ogt, %get3A_205, %gt3A_211 : vector<16xf32>
        %select_n3A_213 = arith.select %gt3A_212, %broadcast_in_dim3A_33, %broadcast_in_dim3A_35 : vector<16xi1>, vector<16xi32>
        %add3A_214 = arith.addi %add3A_166, %select_n3A_213 : vector<16xi32>
        %gt3A_215 = arith.constant 0.000000e+00 : f32
        %gt3A_216 = vector.broadcast %gt3A_215 : f32 to vector<16xf32>
        %gt3A_217 = arith.cmpf ogt, %get3A_208, %gt3A_216 : vector<16xf32>
        %select_n3A_218 = arith.select %gt3A_217, %broadcast_in_dim3A_33, %broadcast_in_dim3A_35 : vector<16xi1>, vector<16xi32>
        %add3A_219 = arith.addi %add3A_171, %select_n3A_218 : vector<16xi32>
        %gt3A_220 = arith.constant 0.000000e+00 : f32
        %gt3A_221 = vector.broadcast %gt3A_220 : f32 to vector<16xf32>
        %gt3A_222 = arith.cmpf ogt, %add3A_209, %gt3A_221 : vector<16xf32>
        %select_n3A_223 = arith.select %gt3A_222, %broadcast_in_dim3A_33, %broadcast_in_dim3A_35 : vector<16xi1>, vector<16xi32>
        %add3A_224 = arith.addi %add3A_176, %select_n3A_223 : vector<16xi32>
        %add3A_225 = arith.constant 64 : i32
        %add3A_226 = arith.addi %mul3A_130, %add3A_225 : i32
        %get3A_227 = arith.index_cast %add3A_226 : i32 to index
        %get3A_228 = tpu.vector_load %arg5[%get3A_227] {strides = array<i32>} : memref<16384xf32, #tpu.memory_space<vmem>>, vector<16xf32>,
        %get3A_229 = vector.shape_cast %get3A_228 : vector<16xf32> to vector<16xf32>
        %get3A_230 = arith.index_cast %add3A_226 : i32 to index
        %get3A_231 = tpu.vector_load %arg7[%get3A_230] {strides = array<i32>} : memref<16384xf32, #tpu.memory_space<vmem>>, vector<16xf32>,
        %get3A_232 = vector.shape_cast %get3A_231 : vector<16xf32> to vector<16xf32>
        %add3A_233 = arith.addf %get3A_229, %get3A_232 : vector<16xf32>
        %gt3A_234 = arith.constant 0.000000e+00 : f32
        %gt3A_235 = vector.broadcast %gt3A_234 : f32 to vector<16xf32>
        %gt3A_236 = arith.cmpf ogt, %get3A_229, %gt3A_235 : vector<16xf32>
        %select_n3A_237 = arith.select %gt3A_236, %broadcast_in_dim3A_33, %broadcast_in_dim3A_35 : vector<16xi1>, vector<16xi32>
        %add3A_238 = arith.addi %add3A_190, %select_n3A_237 : vector<16xi32>
        %gt3A_239 = arith.constant 0.000000e+00 : f32
        %gt3A_240 = vector.broadcast %gt3A_239 : f32 to vector<16xf32>
        %gt3A_241 = arith.cmpf ogt, %get3A_232, %gt3A_240 : vector<16xf32>
        %select_n3A_242 = arith.select %gt3A_241, %broadcast_in_dim3A_33, %broadcast_in_dim3A_35 : vector<16xi1>, vector<16xi32>
        %add3A_243 = arith.addi %add3A_195, %select_n3A_242 : vector<16xi32>
        %gt3A_244 = arith.constant 0.000000e+00 : f32
        %gt3A_245 = vector.broadcast %gt3A_244 : f32 to vector<16xf32>
        %gt3A_246 = arith.cmpf ogt, %add3A_233, %gt3A_245 : vector<16xf32>
        %select_n3A_247 = arith.select %gt3A_246, %broadcast_in_dim3A_33, %broadcast_in_dim3A_35 : vector<16xi1>, vector<16xi32>
        %add3A_248 = arith.addi %add3A_200, %select_n3A_247 : vector<16xi32>
        %add3A_249 = arith.constant 80 : i32
        %add3A_250 = arith.addi %mul3A_130, %add3A_249 : i32
        %get3A_251 = arith.index_cast %add3A_250 : i32 to index
        %get3A_252 = tpu.vector_load %arg5[%get3A_251] {strides = array<i32>} : memref<16384xf32, #tpu.memory_space<vmem>>, vector<16xf32>,
        %get3A_253 = vector.shape_cast %get3A_252 : vector<16xf32> to vector<16xf32>
        %get3A_254 = arith.index_cast %add3A_250 : i32 to index
        %get3A_255 = tpu.vector_load %arg7[%get3A_254] {strides = array<i32>} : memref<16384xf32, #tpu.memory_space<vmem>>, vector<16xf32>,
        %get3A_256 = vector.shape_cast %get3A_255 : vector<16xf32> to vector<16xf32>
        %add3A_257 = arith.addf %get3A_253, %get3A_256 : vector<16xf32>
        %gt3A_258 = arith.constant 0.000000e+00 : f32
        %gt3A_259 = vector.broadcast %gt3A_258 : f32 to vector<16xf32>
        %gt3A_260 = arith.cmpf ogt, %get3A_253, %gt3A_259 : vector<16xf32>
        %select_n3A_261 = arith.select %gt3A_260, %broadcast_in_dim3A_33, %broadcast_in_dim3A_35 : vector<16xi1>, vector<16xi32>
        %add3A_262 = arith.addi %add3A_214, %select_n3A_261 : vector<16xi32>
        %gt3A_263 = arith.constant 0.000000e+00 : f32
        %gt3A_264 = vector.broadcast %gt3A_263 : f32 to vector<16xf32>
        %gt3A_265 = arith.cmpf ogt, %get3A_256, %gt3A_264 : vector<16xf32>
        %select_n3A_266 = arith.select %gt3A_265, %broadcast_in_dim3A_33, %broadcast_in_dim3A_35 : vector<16xi1>, vector<16xi32>
        %add3A_267 = arith.addi %add3A_219, %select_n3A_266 : vector<16xi32>
        %gt3A_268 = arith.constant 0.000000e+00 : f32
        %gt3A_269 = vector.broadcast %gt3A_268 : f32 to vector<16xf32>
        %gt3A_270 = arith.cmpf ogt, %add3A_257, %gt3A_269 : vector<16xf32>
        %select_n3A_271 = arith.select %gt3A_270, %broadcast_in_dim3A_33, %broadcast_in_dim3A_35 : vector<16xi1>, vector<16xi32>
        %add3A_272 = arith.addi %add3A_224, %select_n3A_271 : vector<16xi32>
        %add3A_273 = arith.constant 96 : i32
        %add3A_274 = arith.addi %mul3A_130, %add3A_273 : i32
        %get3A_275 = arith.index_cast %add3A_274 : i32 to index
        %get3A_276 = tpu.vector_load %arg5[%get3A_275] {strides = array<i32>} : memref<16384xf32, #tpu.memory_space<vmem>>, vector<16xf32>,
        %get3A_277 = vector.shape_cast %get3A_276 : vector<16xf32> to vector<16xf32>
        %get3A_278 = arith.index_cast %add3A_274 : i32 to index
        %get3A_279 = tpu.vector_load %arg7[%get3A_278] {strides = array<i32>} : memref<16384xf32, #tpu.memory_space<vmem>>, vector<16xf32>,
        %get3A_280 = vector.shape_cast %get3A_279 : vector<16xf32> to vector<16xf32>
        %add3A_281 = arith.addf %get3A_277, %get3A_280 : vector<16xf32>
        %gt3A_282 = arith.constant 0.000000e+00 : f32
        %gt3A_283 = vector.broadcast %gt3A_282 : f32 to vector<16xf32>
        %gt3A_284 = arith.cmpf ogt, %get3A_277, %gt3A_283 : vector<16xf32>
        %select_n3A_285 = arith.select %gt3A_284, %broadcast_in_dim3A_33, %broadcast_in_dim3A_35 : vector<16xi1>, vector<16xi32>
        %add3A_286 = arith.addi %add3A_238, %select_n3A_285 : vector<16xi32>
        %gt3A_287 = arith.constant 0.000000e+00 : f32
        %gt3A_288 = vector.broadcast %gt3A_287 : f32 to vector<16xf32>
        %gt3A_289 = arith.cmpf ogt, %get3A_280, %gt3A_288 : vector<16xf32>
        %select_n3A_290 = arith.select %gt3A_289, %broadcast_in_dim3A_33, %broadcast_in_dim3A_35 : vector<16xi1>, vector<16xi32>
        %add3A_291 = arith.addi %add3A_243, %select_n3A_290 : vector<16xi32>
        %gt3A_292 = arith.constant 0.000000e+00 : f32
        %gt3A_293 = vector.broadcast %gt3A_292 : f32 to vector<16xf32>
        %gt3A_294 = arith.cmpf ogt, %add3A_281, %gt3A_293 : vector<16xf32>
        %select_n3A_295 = arith.select %gt3A_294, %broadcast_in_dim3A_33, %broadcast_in_dim3A_35 : vector<16xi1>, vector<16xi32>
        %add3A_296 = arith.addi %add3A_248, %select_n3A_295 : vector<16xi32>
        %add3A_297 = arith.constant 112 : i32
        %add3A_298 = arith.addi %mul3A_130, %add3A_297 : i32
        %get3A_299 = arith.index_cast %add3A_298 : i32 to index
        %get3A_300 = tpu.vector_load %arg5[%get3A_299] {strides = array<i32>} : memref<16384xf32, #tpu.memory_space<vmem>>, vector<16xf32>,
        %get3A_301 = vector.shape_cast %get3A_300 : vector<16xf32> to vector<16xf32>
        %get3A_302 = arith.index_cast %add3A_298 : i32 to index
        %get3A_303 = tpu.vector_load %arg7[%get3A_302] {strides = array<i32>} : memref<16384xf32, #tpu.memory_space<vmem>>, vector<16xf32>,
        %get3A_304 = vector.shape_cast %get3A_303 : vector<16xf32> to vector<16xf32>
        %add3A_305 = arith.addf %get3A_301, %get3A_304 : vector<16xf32>
        %gt3A_306 = arith.constant 0.000000e+00 : f32
        %gt3A_307 = vector.broadcast %gt3A_306 : f32 to vector<16xf32>
        %gt3A_308 = arith.cmpf ogt, %get3A_301, %gt3A_307 : vector<16xf32>
        %select_n3A_309 = arith.select %gt3A_308, %broadcast_in_dim3A_33, %broadcast_in_dim3A_35 : vector<16xi1>, vector<16xi32>
        %add3A_310 = arith.addi %add3A_262, %select_n3A_309 : vector<16xi32>
        %gt3A_311 = arith.constant 0.000000e+00 : f32
        %gt3A_312 = vector.broadcast %gt3A_311 : f32 to vector<16xf32>
        %gt3A_313 = arith.cmpf ogt, %get3A_304, %gt3A_312 : vector<16xf32>
        %select_n3A_314 = arith.select %gt3A_313, %broadcast_in_dim3A_33, %broadcast_in_dim3A_35 : vector<16xi1>, vector<16xi32>
        %add3A_315 = arith.addi %add3A_267, %select_n3A_314 : vector<16xi32>
        %gt3A_316 = arith.constant 0.000000e+00 : f32
        %gt3A_317 = vector.broadcast %gt3A_316 : f32 to vector<16xf32>
        %gt3A_318 = arith.cmpf ogt, %add3A_305, %gt3A_317 : vector<16xf32>
        %select_n3A_319 = arith.select %gt3A_318, %broadcast_in_dim3A_33, %broadcast_in_dim3A_35 : vector<16xi1>, vector<16xi32>
        %add3A_320 = arith.addi %add3A_272, %select_n3A_319 : vector<16xi32>
        %add3A_321 = arith.constant 128 : i32
        %add3A_322 = arith.addi %mul3A_130, %add3A_321 : i32
        %get3A_323 = arith.index_cast %add3A_322 : i32 to index
        %get3A_324 = tpu.vector_load %arg5[%get3A_323] {strides = array<i32>} : memref<16384xf32, #tpu.memory_space<vmem>>, vector<16xf32>,
        %get3A_325 = vector.shape_cast %get3A_324 : vector<16xf32> to vector<16xf32>
        %get3A_326 = arith.index_cast %add3A_322 : i32 to index
        %get3A_327 = tpu.vector_load %arg7[%get3A_326] {strides = array<i32>} : memref<16384xf32, #tpu.memory_space<vmem>>, vector<16xf32>,
        %get3A_328 = vector.shape_cast %get3A_327 : vector<16xf32> to vector<16xf32>
        %add3A_329 = arith.addf %get3A_325, %get3A_328 : vector<16xf32>
        %gt3A_330 = arith.constant 0.000000e+00 : f32
        %gt3A_331 = vector.broadcast %gt3A_330 : f32 to vector<16xf32>
        %gt3A_332 = arith.cmpf ogt, %get3A_325, %gt3A_331 : vector<16xf32>
        %select_n3A_333 = arith.select %gt3A_332, %broadcast_in_dim3A_33, %broadcast_in_dim3A_35 : vector<16xi1>, vector<16xi32>
        %add3A_334 = arith.addi %add3A_286, %select_n3A_333 : vector<16xi32>
        %gt3A_335 = arith.constant 0.000000e+00 : f32
        %gt3A_336 = vector.broadcast %gt3A_335 : f32 to vector<16xf32>
        %gt3A_337 = arith.cmpf ogt, %get3A_328, %gt3A_336 : vector<16xf32>
        %select_n3A_338 = arith.select %gt3A_337, %broadcast_in_dim3A_33, %broadcast_in_dim3A_35 : vector<16xi1>, vector<16xi32>
        %add3A_339 = arith.addi %add3A_291, %select_n3A_338 : vector<16xi32>
        %gt3A_340 = arith.constant 0.000000e+00 : f32
        %gt3A_341 = vector.broadcast %gt3A_340 : f32 to vector<16xf32>
        %gt3A_342 = arith.cmpf ogt, %add3A_329, %gt3A_341 : vector<16xf32>
        %select_n3A_343 = arith.select %gt3A_342, %broadcast_in_dim3A_33, %broadcast_in_dim3A_35 : vector<16xi1>, vector<16xi32>
        %add3A_344 = arith.addi %add3A_296, %select_n3A_343 : vector<16xi32>
        %add3A_345 = arith.constant 144 : i32
        %add3A_346 = arith.addi %mul3A_130, %add3A_345 : i32
        %get3A_347 = arith.index_cast %add3A_346 : i32 to index
        %get3A_348 = tpu.vector_load %arg5[%get3A_347] {strides = array<i32>} : memref<16384xf32, #tpu.memory_space<vmem>>, vector<16xf32>,
        %get3A_349 = vector.shape_cast %get3A_348 : vector<16xf32> to vector<16xf32>
        %get3A_350 = arith.index_cast %add3A_346 : i32 to index
        %get3A_351 = tpu.vector_load %arg7[%get3A_350] {strides = array<i32>} : memref<16384xf32, #tpu.memory_space<vmem>>, vector<16xf32>,
        %get3A_352 = vector.shape_cast %get3A_351 : vector<16xf32> to vector<16xf32>
        %add3A_353 = arith.addf %get3A_349, %get3A_352 : vector<16xf32>
        %gt3A_354 = arith.constant 0.000000e+00 : f32
        %gt3A_355 = vector.broadcast %gt3A_354 : f32 to vector<16xf32>
        %gt3A_356 = arith.cmpf ogt, %get3A_349, %gt3A_355 : vector<16xf32>
        %select_n3A_357 = arith.select %gt3A_356, %broadcast_in_dim3A_33, %broadcast_in_dim3A_35 : vector<16xi1>, vector<16xi32>
        %add3A_358 = arith.addi %add3A_310, %select_n3A_357 : vector<16xi32>
        %gt3A_359 = arith.constant 0.000000e+00 : f32
        %gt3A_360 = vector.broadcast %gt3A_359 : f32 to vector<16xf32>
        %gt3A_361 = arith.cmpf ogt, %get3A_352, %gt3A_360 : vector<16xf32>
        %select_n3A_362 = arith.select %gt3A_361, %broadcast_in_dim3A_33, %broadcast_in_dim3A_35 : vector<16xi1>, vector<16xi32>
        %add3A_363 = arith.addi %add3A_315, %select_n3A_362 : vector<16xi32>
        %gt3A_364 = arith.constant 0.000000e+00 : f32
        %gt3A_365 = vector.broadcast %gt3A_364 : f32 to vector<16xf32>
        %gt3A_366 = arith.cmpf ogt, %add3A_353, %gt3A_365 : vector<16xf32>
        %select_n3A_367 = arith.select %gt3A_366, %broadcast_in_dim3A_33, %broadcast_in_dim3A_35 : vector<16xi1>, vector<16xi32>
        %add3A_368 = arith.addi %add3A_320, %select_n3A_367 : vector<16xi32>
        %add3A_369 = arith.constant 160 : i32
        %add3A_370 = arith.addi %mul3A_130, %add3A_369 : i32
        %get3A_371 = arith.index_cast %add3A_370 : i32 to index
        %get3A_372 = tpu.vector_load %arg5[%get3A_371] {strides = array<i32>} : memref<16384xf32, #tpu.memory_space<vmem>>, vector<16xf32>,
        %get3A_373 = vector.shape_cast %get3A_372 : vector<16xf32> to vector<16xf32>
        %get3A_374 = arith.index_cast %add3A_370 : i32 to index
        %get3A_375 = tpu.vector_load %arg7[%get3A_374] {strides = array<i32>} : memref<16384xf32, #tpu.memory_space<vmem>>, vector<16xf32>,
        %get3A_376 = vector.shape_cast %get3A_375 : vector<16xf32> to vector<16xf32>
        %add3A_377 = arith.addf %get3A_373, %get3A_376 : vector<16xf32>
        %gt3A_378 = arith.constant 0.000000e+00 : f32
        %gt3A_379 = vector.broadcast %gt3A_378 : f32 to vector<16xf32>
        %gt3A_380 = arith.cmpf ogt, %get3A_373, %gt3A_379 : vector<16xf32>
        %select_n3A_381 = arith.select %gt3A_380, %broadcast_in_dim3A_33, %broadcast_in_dim3A_35 : vector<16xi1>, vector<16xi32>
        %add3A_382 = arith.addi %add3A_334, %select_n3A_381 : vector<16xi32>
        %gt3A_383 = arith.constant 0.000000e+00 : f32
        %gt3A_384 = vector.broadcast %gt3A_383 : f32 to vector<16xf32>
        %gt3A_385 = arith.cmpf ogt, %get3A_376, %gt3A_384 : vector<16xf32>
        %select_n3A_386 = arith.select %gt3A_385, %broadcast_in_dim3A_33, %broadcast_in_dim3A_35 : vector<16xi1>, vector<16xi32>
        %add3A_387 = arith.addi %add3A_339, %select_n3A_386 : vector<16xi32>
        %gt3A_388 = arith.constant 0.000000e+00 : f32
        %gt3A_389 = vector.broadcast %gt3A_388 : f32 to vector<16xf32>
        %gt3A_390 = arith.cmpf ogt, %add3A_377, %gt3A_389 : vector<16xf32>
        %select_n3A_391 = arith.select %gt3A_390, %broadcast_in_dim3A_33, %broadcast_in_dim3A_35 : vector<16xi1>, vector<16xi32>
        %add3A_392 = arith.addi %add3A_344, %select_n3A_391 : vector<16xi32>
        %add3A_393 = arith.constant 176 : i32
        %add3A_394 = arith.addi %mul3A_130, %add3A_393 : i32
        %get3A_395 = arith.index_cast %add3A_394 : i32 to index
        %get3A_396 = tpu.vector_load %arg5[%get3A_395] {strides = array<i32>} : memref<16384xf32, #tpu.memory_space<vmem>>, vector<16xf32>,
        %get3A_397 = vector.shape_cast %get3A_396 : vector<16xf32> to vector<16xf32>
        %get3A_398 = arith.index_cast %add3A_394 : i32 to index
        %get3A_399 = tpu.vector_load %arg7[%get3A_398] {strides = array<i32>} : memref<16384xf32, #tpu.memory_space<vmem>>, vector<16xf32>,
        %get3A_400 = vector.shape_cast %get3A_399 : vector<16xf32> to vector<16xf32>
        %add3A_401 = arith.addf %get3A_397, %get3A_400 : vector<16xf32>
        %gt3A_402 = arith.constant 0.000000e+00 : f32
        %gt3A_403 = vector.broadcast %gt3A_402 : f32 to vector<16xf32>
        %gt3A_404 = arith.cmpf ogt, %get3A_397, %gt3A_403 : vector<16xf32>
        %select_n3A_405 = arith.select %gt3A_404, %broadcast_in_dim3A_33, %broadcast_in_dim3A_35 : vector<16xi1>, vector<16xi32>
        %add3A_406 = arith.addi %add3A_358, %select_n3A_405 : vector<16xi32>
        %gt3A_407 = arith.constant 0.000000e+00 : f32
        %gt3A_408 = vector.broadcast %gt3A_407 : f32 to vector<16xf32>
        %gt3A_409 = arith.cmpf ogt, %get3A_400, %gt3A_408 : vector<16xf32>
        %select_n3A_410 = arith.select %gt3A_409, %broadcast_in_dim3A_33, %broadcast_in_dim3A_35 : vector<16xi1>, vector<16xi32>
        %add3A_411 = arith.addi %add3A_363, %select_n3A_410 : vector<16xi32>
        %gt3A_412 = arith.constant 0.000000e+00 : f32
        %gt3A_413 = vector.broadcast %gt3A_412 : f32 to vector<16xf32>
        %gt3A_414 = arith.cmpf ogt, %add3A_401, %gt3A_413 : vector<16xf32>
        %select_n3A_415 = arith.select %gt3A_414, %broadcast_in_dim3A_33, %broadcast_in_dim3A_35 : vector<16xi1>, vector<16xi32>
        %add3A_416 = arith.addi %add3A_368, %select_n3A_415 : vector<16xi32>
        %add3A_417 = arith.constant 192 : i32
        %add3A_418 = arith.addi %mul3A_130, %add3A_417 : i32
        %get3A_419 = arith.index_cast %add3A_418 : i32 to index
        %get3A_420 = tpu.vector_load %arg5[%get3A_419] {strides = array<i32>} : memref<16384xf32, #tpu.memory_space<vmem>>, vector<16xf32>,
        %get3A_421 = vector.shape_cast %get3A_420 : vector<16xf32> to vector<16xf32>
        %get3A_422 = arith.index_cast %add3A_418 : i32 to index
        %get3A_423 = tpu.vector_load %arg7[%get3A_422] {strides = array<i32>} : memref<16384xf32, #tpu.memory_space<vmem>>, vector<16xf32>,
        %get3A_424 = vector.shape_cast %get3A_423 : vector<16xf32> to vector<16xf32>
        %add3A_425 = arith.addf %get3A_421, %get3A_424 : vector<16xf32>
        %gt3A_426 = arith.constant 0.000000e+00 : f32
        %gt3A_427 = vector.broadcast %gt3A_426 : f32 to vector<16xf32>
        %gt3A_428 = arith.cmpf ogt, %get3A_421, %gt3A_427 : vector<16xf32>
        %select_n3A_429 = arith.select %gt3A_428, %broadcast_in_dim3A_33, %broadcast_in_dim3A_35 : vector<16xi1>, vector<16xi32>
        %add3A_430 = arith.addi %add3A_382, %select_n3A_429 : vector<16xi32>
        %gt3A_431 = arith.constant 0.000000e+00 : f32
        %gt3A_432 = vector.broadcast %gt3A_431 : f32 to vector<16xf32>
        %gt3A_433 = arith.cmpf ogt, %get3A_424, %gt3A_432 : vector<16xf32>
        %select_n3A_434 = arith.select %gt3A_433, %broadcast_in_dim3A_33, %broadcast_in_dim3A_35 : vector<16xi1>, vector<16xi32>
        %add3A_435 = arith.addi %add3A_387, %select_n3A_434 : vector<16xi32>
        %gt3A_436 = arith.constant 0.000000e+00 : f32
        %gt3A_437 = vector.broadcast %gt3A_436 : f32 to vector<16xf32>
        %gt3A_438 = arith.cmpf ogt, %add3A_425, %gt3A_437 : vector<16xf32>
        %select_n3A_439 = arith.select %gt3A_438, %broadcast_in_dim3A_33, %broadcast_in_dim3A_35 : vector<16xi1>, vector<16xi32>
        %add3A_440 = arith.addi %add3A_392, %select_n3A_439 : vector<16xi32>
        %add3A_441 = arith.constant 208 : i32
        %add3A_442 = arith.addi %mul3A_130, %add3A_441 : i32
        %get3A_443 = arith.index_cast %add3A_442 : i32 to index
        %get3A_444 = tpu.vector_load %arg5[%get3A_443] {strides = array<i32>} : memref<16384xf32, #tpu.memory_space<vmem>>, vector<16xf32>,
        %get3A_445 = vector.shape_cast %get3A_444 : vector<16xf32> to vector<16xf32>
        %get3A_446 = arith.index_cast %add3A_442 : i32 to index
        %get3A_447 = tpu.vector_load %arg7[%get3A_446] {strides = array<i32>} : memref<16384xf32, #tpu.memory_space<vmem>>, vector<16xf32>,
        %get3A_448 = vector.shape_cast %get3A_447 : vector<16xf32> to vector<16xf32>
        %add3A_449 = arith.addf %get3A_445, %get3A_448 : vector<16xf32>
        %gt3A_450 = arith.constant 0.000000e+00 : f32
        %gt3A_451 = vector.broadcast %gt3A_450 : f32 to vector<16xf32>
        %gt3A_452 = arith.cmpf ogt, %get3A_445, %gt3A_451 : vector<16xf32>
        %select_n3A_453 = arith.select %gt3A_452, %broadcast_in_dim3A_33, %broadcast_in_dim3A_35 : vector<16xi1>, vector<16xi32>
        %add3A_454 = arith.addi %add3A_406, %select_n3A_453 : vector<16xi32>
        %gt3A_455 = arith.constant 0.000000e+00 : f32
        %gt3A_456 = vector.broadcast %gt3A_455 : f32 to vector<16xf32>
        %gt3A_457 = arith.cmpf ogt, %get3A_448, %gt3A_456 : vector<16xf32>
        %select_n3A_458 = arith.select %gt3A_457, %broadcast_in_dim3A_33, %broadcast_in_dim3A_35 : vector<16xi1>, vector<16xi32>
        %add3A_459 = arith.addi %add3A_411, %select_n3A_458 : vector<16xi32>
        %gt3A_460 = arith.constant 0.000000e+00 : f32
        %gt3A_461 = vector.broadcast %gt3A_460 : f32 to vector<16xf32>
        %gt3A_462 = arith.cmpf ogt, %add3A_449, %gt3A_461 : vector<16xf32>
        %select_n3A_463 = arith.select %gt3A_462, %broadcast_in_dim3A_33, %broadcast_in_dim3A_35 : vector<16xi1>, vector<16xi32>
        %add3A_464 = arith.addi %add3A_416, %select_n3A_463 : vector<16xi32>
        %add3A_465 = arith.constant 224 : i32
        %add3A_466 = arith.addi %mul3A_130, %add3A_465 : i32
        %get3A_467 = arith.index_cast %add3A_466 : i32 to index
        %get3A_468 = tpu.vector_load %arg5[%get3A_467] {strides = array<i32>} : memref<16384xf32, #tpu.memory_space<vmem>>, vector<16xf32>,
        %get3A_469 = vector.shape_cast %get3A_468 : vector<16xf32> to vector<16xf32>
        %get3A_470 = arith.index_cast %add3A_466 : i32 to index
        %get3A_471 = tpu.vector_load %arg7[%get3A_470] {strides = array<i32>} : memref<16384xf32, #tpu.memory_space<vmem>>, vector<16xf32>,
        %get3A_472 = vector.shape_cast %get3A_471 : vector<16xf32> to vector<16xf32>
        %add3A_473 = arith.addf %get3A_469, %get3A_472 : vector<16xf32>
        %gt3A_474 = arith.constant 0.000000e+00 : f32
        %gt3A_475 = vector.broadcast %gt3A_474 : f32 to vector<16xf32>
        %gt3A_476 = arith.cmpf ogt, %get3A_469, %gt3A_475 : vector<16xf32>
        %select_n3A_477 = arith.select %gt3A_476, %broadcast_in_dim3A_33, %broadcast_in_dim3A_35 : vector<16xi1>, vector<16xi32>
        %add3A_478 = arith.addi %add3A_430, %select_n3A_477 : vector<16xi32>
        %gt3A_479 = arith.constant 0.000000e+00 : f32
        %gt3A_480 = vector.broadcast %gt3A_479 : f32 to vector<16xf32>
        %gt3A_481 = arith.cmpf ogt, %get3A_472, %gt3A_480 : vector<16xf32>
        %select_n3A_482 = arith.select %gt3A_481, %broadcast_in_dim3A_33, %broadcast_in_dim3A_35 : vector<16xi1>, vector<16xi32>
        %add3A_483 = arith.addi %add3A_435, %select_n3A_482 : vector<16xi32>
        %gt3A_484 = arith.constant 0.000000e+00 : f32
        %gt3A_485 = vector.broadcast %gt3A_484 : f32 to vector<16xf32>
        %gt3A_486 = arith.cmpf ogt, %add3A_473, %gt3A_485 : vector<16xf32>
        %select_n3A_487 = arith.select %gt3A_486, %broadcast_in_dim3A_33, %broadcast_in_dim3A_35 : vector<16xi1>, vector<16xi32>
        %add3A_488 = arith.addi %add3A_440, %select_n3A_487 : vector<16xi32>
        %add3A_489 = arith.constant 240 : i32
        %add3A_490 = arith.addi %mul3A_130, %add3A_489 : i32
        %get3A_491 = arith.index_cast %add3A_490 : i32 to index
        %get3A_492 = tpu.vector_load %arg5[%get3A_491] {strides = array<i32>} : memref<16384xf32, #tpu.memory_space<vmem>>, vector<16xf32>,
        %get3A_493 = vector.shape_cast %get3A_492 : vector<16xf32> to vector<16xf32>
        %get3A_494 = arith.index_cast %add3A_490 : i32 to index
        %get3A_495 = tpu.vector_load %arg7[%get3A_494] {strides = array<i32>} : memref<16384xf32, #tpu.memory_space<vmem>>, vector<16xf32>,
        %get3A_496 = vector.shape_cast %get3A_495 : vector<16xf32> to vector<16xf32>
        %add3A_497 = arith.addf %get3A_493, %get3A_496 : vector<16xf32>
        %gt3A_498 = arith.constant 0.000000e+00 : f32
        %gt3A_499 = vector.broadcast %gt3A_498 : f32 to vector<16xf32>
        %gt3A_500 = arith.cmpf ogt, %get3A_493, %gt3A_499 : vector<16xf32>
        %select_n3A_501 = arith.select %gt3A_500, %broadcast_in_dim3A_33, %broadcast_in_dim3A_35 : vector<16xi1>, vector<16xi32>
        %add3A_502 = arith.addi %add3A_454, %select_n3A_501 : vector<16xi32>
        %gt3A_503 = arith.constant 0.000000e+00 : f32
        %gt3A_504 = vector.broadcast %gt3A_503 : f32 to vector<16xf32>
        %gt3A_505 = arith.cmpf ogt, %get3A_496, %gt3A_504 : vector<16xf32>
        %select_n3A_506 = arith.select %gt3A_505, %broadcast_in_dim3A_33, %broadcast_in_dim3A_35 : vector<16xi1>, vector<16xi32>
        %add3A_507 = arith.addi %add3A_459, %select_n3A_506 : vector<16xi32>
        %gt3A_508 = arith.constant 0.000000e+00 : f32
        %gt3A_509 = vector.broadcast %gt3A_508 : f32 to vector<16xf32>
        %gt3A_510 = arith.cmpf ogt, %add3A_497, %gt3A_509 : vector<16xf32>
        %select_n3A_511 = arith.select %gt3A_510, %broadcast_in_dim3A_33, %broadcast_in_dim3A_35 : vector<16xi1>, vector<16xi32>
        %add3A_512 = arith.addi %add3A_464, %select_n3A_511 : vector<16xi32>
        scf.yield %add3A_478, %add3A_502, %add3A_483, %add3A_507, %add3A_488, %add3A_512 : vector<16xi32>, vector<16xi32>, vector<16xi32>, vector<16xi32>, vector<16xi32>, vector<16xi32>
      }
      %scan3A_95 = arith.constant 64 : i32
      %add3A_96 = arith.constant 1 : i32
      %add3A_97 = arith.addi %mul3A_74, %add3A_96 : i32
      %mul3A_98 = arith.constant 16384 : i32
      %mul3A_99 = arith.muli %add3A_97, %mul3A_98 : i32
      %add3A_100 = arith.addi %mul3A_32, %mul3A_99 : i32
      %dma_wait3A_101 = tpu.memref_slice %arg2[%select_n3A, %add3A_100] : memref<16x1048576xf32, #tpu.memory_space<hbm>> -> memref<1x16384xf32, #tpu.memory_space<hbm>>
      %dma_wait3A_102 = tpu.memref_squeeze %dma_wait3A_101 : memref<1x16384xf32, #tpu.memory_space<hbm>> -> memref<16384xf32, #tpu.memory_space<hbm>>
      %dma_wait3A_103 = tpu.memref_slice %arg2[%select_n3A, %add3A_100] : memref<16x1048576xf32, #tpu.memory_space<hbm>> -> memref<1x16384xf32, #tpu.memory_space<hbm>>
      %dma_wait3A_104 = tpu.memref_squeeze %dma_wait3A_103 : memref<1x16384xf32, #tpu.memory_space<hbm>> -> memref<16384xf32, #tpu.memory_space<hbm>>
      tpu.wait_dma2 semaphore(%arg11 : memref<!tpu.dma_semaphore, #tpu.memory_space<semaphore_mem>>) src(%dma_wait3A_104 : memref<16384xf32, #tpu.memory_space<hbm>>) dst(%arg6 : memref<16384xf32, #tpu.memory_space<vmem>>)
      %dma_wait3A_105 = tpu.memref_slice %arg3[%select_n3A, %add3A_100] : memref<16x1048576xf32, #tpu.memory_space<hbm>> -> memref<1x16384xf32, #tpu.memory_space<hbm>>
      %dma_wait3A_106 = tpu.memref_squeeze %dma_wait3A_105 : memref<1x16384xf32, #tpu.memory_space<hbm>> -> memref<16384xf32, #tpu.memory_space<hbm>>
      %dma_wait3A_107 = tpu.memref_slice %arg3[%select_n3A, %add3A_100] : memref<16x1048576xf32, #tpu.memory_space<hbm>> -> memref<1x16384xf32, #tpu.memory_space<hbm>>
      %dma_wait3A_108 = tpu.memref_squeeze %dma_wait3A_107 : memref<1x16384xf32, #tpu.memory_space<hbm>> -> memref<16384xf32, #tpu.memory_space<hbm>>
      tpu.wait_dma2 semaphore(%arg13 : memref<!tpu.dma_semaphore, #tpu.memory_space<semaphore_mem>>) src(%dma_wait3A_108 : memref<16384xf32, #tpu.memory_space<hbm>>) dst(%arg8 : memref<16384xf32, #tpu.memory_space<vmem>>)
      %add3A_109 = arith.constant 1 : i32
      %add3A_110 = arith.addi %add3A_97, %add3A_109 : i32
      %lt3A_111 = arith.constant 8 : i32
      %lt3A_112 = arith.cmpi slt, %add3A_110, %lt3A_111 : i32
      %convert_element_type3A_113 = arith.extui %lt3A_112 : i1 to i32
      %cond3A_114 = arith.constant 0 : i32
      %cond3A_115 = arith.cmpi ne, %convert_element_type3A_113, %cond3A_114 : i32
      scf.if %cond3A_115 {
        %add3A_122 = arith.constant 1 : i32
        %add3A_123 = arith.addi %add3A_97, %add3A_122 : i32
        %mul3A_124 = arith.constant 16384 : i32
        %mul3A_125 = arith.muli %add3A_123, %mul3A_124 : i32
        %add3A_126 = arith.addi %mul3A_32, %mul3A_125 : i32
        %dma_start3A_127 = tpu.memref_slice %arg2[%select_n3A, %add3A_126] : memref<16x1048576xf32, #tpu.memory_space<hbm>> -> memref<1x16384xf32, #tpu.memory_space<hbm>>
        %dma_start3A_128 = tpu.memref_squeeze %dma_start3A_127 : memref<1x16384xf32, #tpu.memory_space<hbm>> -> memref<16384xf32, #tpu.memory_space<hbm>>
        %dma_start3A_129 = tpu.memref_slice %arg2[%select_n3A, %add3A_126] : memref<16x1048576xf32, #tpu.memory_space<hbm>> -> memref<1x16384xf32, #tpu.memory_space<hbm>>
        %dma_start3A_130 = tpu.memref_squeeze %dma_start3A_129 : memref<1x16384xf32, #tpu.memory_space<hbm>> -> memref<16384xf32, #tpu.memory_space<hbm>>
        tpu.enqueue_dma source(%dma_start3A_130 : memref<16384xf32, #tpu.memory_space<hbm>>) target(%arg5 : memref<16384xf32, #tpu.memory_space<vmem>>) target_semaphore(%arg10 : memref<!tpu.dma_semaphore, #tpu.memory_space<semaphore_mem>>)
        %dma_start3A_131 = tpu.memref_slice %arg3[%select_n3A, %add3A_126] : memref<16x1048576xf32, #tpu.memory_space<hbm>> -> memref<1x16384xf32, #tpu.memory_space<hbm>>
        %dma_start3A_132 = tpu.memref_squeeze %dma_start3A_131 : memref<1x16384xf32, #tpu.memory_space<hbm>> -> memref<16384xf32, #tpu.memory_space<hbm>>
        %dma_start3A_133 = tpu.memref_slice %arg3[%select_n3A, %add3A_126] : memref<16x1048576xf32, #tpu.memory_space<hbm>> -> memref<1x16384xf32, #tpu.memory_space<hbm>>
        %dma_start3A_134 = tpu.memref_squeeze %dma_start3A_133 : memref<1x16384xf32, #tpu.memory_space<hbm>> -> memref<16384xf32, #tpu.memory_space<hbm>>
        tpu.enqueue_dma source(%dma_start3A_134 : memref<16384xf32, #tpu.memory_space<hbm>>) target(%arg7 : memref<16384xf32, #tpu.memory_space<vmem>>) target_semaphore(%arg12 : memref<!tpu.dma_semaphore, #tpu.memory_space<semaphore_mem>>)
      } else {
      }
      %scan3A_116 = arith.constant 0 : i32
      %scan3A_117 = arith.constant 64 : i32
      %scan3A_118 = arith.addi %scan3A_116, %scan3A_117 : i32
      %scan3A_119 = arith.constant 1 : i32
      %scan3A_120:6 = scf.for %scan3A_122 = %scan3A_116 to %scan3A_118 step %scan3A_119 iter_args(%scan3A_123 = %scan3A_94#0, %scan3A_124 = %scan3A_94#1, %scan3A_125 = %scan3A_94#2, %scan3A_126 = %scan3A_94#3, %scan3A_127 = %scan3A_94#4, %scan3A_128 = %scan3A_94#5) -> (vector<16xi32>, vector<16xi32>, vector<16xi32>, vector<16xi32>, vector<16xi32>, vector<16xi32>)  : i32 {
        %mul3A_129 = arith.constant 256 : i32
        %mul3A_130 = arith.muli %scan3A_122, %mul3A_129 : i32
        %add3A_131 = arith.constant 0 : i32
        %add3A_132 = arith.addi %mul3A_130, %add3A_131 : i32
        %get3A = arith.index_cast %add3A_132 : i32 to index
        %get3A_133 = tpu.vector_load %arg6[%get3A] {strides = array<i32>} : memref<16384xf32, #tpu.memory_space<vmem>>, vector<16xf32>,
        %get3A_134 = vector.shape_cast %get3A_133 : vector<16xf32> to vector<16xf32>
        %get3A_135 = arith.index_cast %add3A_132 : i32 to index
        %get3A_136 = tpu.vector_load %arg8[%get3A_135] {strides = array<i32>} : memref<16384xf32, #tpu.memory_space<vmem>>, vector<16xf32>,
        %get3A_137 = vector.shape_cast %get3A_136 : vector<16xf32> to vector<16xf32>
        %add3A_138 = arith.addf %get3A_134, %get3A_137 : vector<16xf32>
        %gt3A = arith.constant 0.000000e+00 : f32
        %gt3A_139 = vector.broadcast %gt3A : f32 to vector<16xf32>
        %gt3A_140 = arith.cmpf ogt, %get3A_134, %gt3A_139 : vector<16xf32>
        %select_n3A_141 = arith.select %gt3A_140, %broadcast_in_dim3A_33, %broadcast_in_dim3A_35 : vector<16xi1>, vector<16xi32>
        %add3A_142 = arith.addi %scan3A_123, %select_n3A_141 : vector<16xi32>
        %gt3A_143 = arith.constant 0.000000e+00 : f32
        %gt3A_144 = vector.broadcast %gt3A_143 : f32 to vector<16xf32>
        %gt3A_145 = arith.cmpf ogt, %get3A_137, %gt3A_144 : vector<16xf32>
        %select_n3A_146 = arith.select %gt3A_145, %broadcast_in_dim3A_33, %broadcast_in_dim3A_35 : vector<16xi1>, vector<16xi32>
        %add3A_147 = arith.addi %scan3A_125, %select_n3A_146 : vector<16xi32>
        %gt3A_148 = arith.constant 0.000000e+00 : f32
        %gt3A_149 = vector.broadcast %gt3A_148 : f32 to vector<16xf32>
        %gt3A_150 = arith.cmpf ogt, %add3A_138, %gt3A_149 : vector<16xf32>
        %select_n3A_151 = arith.select %gt3A_150, %broadcast_in_dim3A_33, %broadcast_in_dim3A_35 : vector<16xi1>, vector<16xi32>
        %add3A_152 = arith.addi %scan3A_127, %select_n3A_151 : vector<16xi32>
        %add3A_153 = arith.constant 16 : i32
        %add3A_154 = arith.addi %mul3A_130, %add3A_153 : i32
        %get3A_155 = arith.index_cast %add3A_154 : i32 to index
        %get3A_156 = tpu.vector_load %arg6[%get3A_155] {strides = array<i32>} : memref<16384xf32, #tpu.memory_space<vmem>>, vector<16xf32>,
        %get3A_157 = vector.shape_cast %get3A_156 : vector<16xf32> to vector<16xf32>
        %get3A_158 = arith.index_cast %add3A_154 : i32 to index
        %get3A_159 = tpu.vector_load %arg8[%get3A_158] {strides = array<i32>} : memref<16384xf32, #tpu.memory_space<vmem>>, vector<16xf32>,
        %get3A_160 = vector.shape_cast %get3A_159 : vector<16xf32> to vector<16xf32>
        %add3A_161 = arith.addf %get3A_157, %get3A_160 : vector<16xf32>
        %gt3A_162 = arith.constant 0.000000e+00 : f32
        %gt3A_163 = vector.broadcast %gt3A_162 : f32 to vector<16xf32>
        %gt3A_164 = arith.cmpf ogt, %get3A_157, %gt3A_163 : vector<16xf32>
        %select_n3A_165 = arith.select %gt3A_164, %broadcast_in_dim3A_33, %broadcast_in_dim3A_35 : vector<16xi1>, vector<16xi32>
        %add3A_166 = arith.addi %scan3A_124, %select_n3A_165 : vector<16xi32>
        %gt3A_167 = arith.constant 0.000000e+00 : f32
        %gt3A_168 = vector.broadcast %gt3A_167 : f32 to vector<16xf32>
        %gt3A_169 = arith.cmpf ogt, %get3A_160, %gt3A_168 : vector<16xf32>
        %select_n3A_170 = arith.select %gt3A_169, %broadcast_in_dim3A_33, %broadcast_in_dim3A_35 : vector<16xi1>, vector<16xi32>
        %add3A_171 = arith.addi %scan3A_126, %select_n3A_170 : vector<16xi32>
        %gt3A_172 = arith.constant 0.000000e+00 : f32
        %gt3A_173 = vector.broadcast %gt3A_172 : f32 to vector<16xf32>
        %gt3A_174 = arith.cmpf ogt, %add3A_161, %gt3A_173 : vector<16xf32>
        %select_n3A_175 = arith.select %gt3A_174, %broadcast_in_dim3A_33, %broadcast_in_dim3A_35 : vector<16xi1>, vector<16xi32>
        %add3A_176 = arith.addi %scan3A_128, %select_n3A_175 : vector<16xi32>
        %add3A_177 = arith.constant 32 : i32
        %add3A_178 = arith.addi %mul3A_130, %add3A_177 : i32
        %get3A_179 = arith.index_cast %add3A_178 : i32 to index
        %get3A_180 = tpu.vector_load %arg6[%get3A_179] {strides = array<i32>} : memref<16384xf32, #tpu.memory_space<vmem>>, vector<16xf32>,
        %get3A_181 = vector.shape_cast %get3A_180 : vector<16xf32> to vector<16xf32>
        %get3A_182 = arith.index_cast %add3A_178 : i32 to index
        %get3A_183 = tpu.vector_load %arg8[%get3A_182] {strides = array<i32>} : memref<16384xf32, #tpu.memory_space<vmem>>, vector<16xf32>,
        %get3A_184 = vector.shape_cast %get3A_183 : vector<16xf32> to vector<16xf32>
        %add3A_185 = arith.addf %get3A_181, %get3A_184 : vector<16xf32>
        %gt3A_186 = arith.constant 0.000000e+00 : f32
        %gt3A_187 = vector.broadcast %gt3A_186 : f32 to vector<16xf32>
        %gt3A_188 = arith.cmpf ogt, %get3A_181, %gt3A_187 : vector<16xf32>
        %select_n3A_189 = arith.select %gt3A_188, %broadcast_in_dim3A_33, %broadcast_in_dim3A_35 : vector<16xi1>, vector<16xi32>
        %add3A_190 = arith.addi %add3A_142, %select_n3A_189 : vector<16xi32>
        %gt3A_191 = arith.constant 0.000000e+00 : f32
        %gt3A_192 = vector.broadcast %gt3A_191 : f32 to vector<16xf32>
        %gt3A_193 = arith.cmpf ogt, %get3A_184, %gt3A_192 : vector<16xf32>
        %select_n3A_194 = arith.select %gt3A_193, %broadcast_in_dim3A_33, %broadcast_in_dim3A_35 : vector<16xi1>, vector<16xi32>
        %add3A_195 = arith.addi %add3A_147, %select_n3A_194 : vector<16xi32>
        %gt3A_196 = arith.constant 0.000000e+00 : f32
        %gt3A_197 = vector.broadcast %gt3A_196 : f32 to vector<16xf32>
        %gt3A_198 = arith.cmpf ogt, %add3A_185, %gt3A_197 : vector<16xf32>
        %select_n3A_199 = arith.select %gt3A_198, %broadcast_in_dim3A_33, %broadcast_in_dim3A_35 : vector<16xi1>, vector<16xi32>
        %add3A_200 = arith.addi %add3A_152, %select_n3A_199 : vector<16xi32>
        %add3A_201 = arith.constant 48 : i32
        %add3A_202 = arith.addi %mul3A_130, %add3A_201 : i32
        %get3A_203 = arith.index_cast %add3A_202 : i32 to index
        %get3A_204 = tpu.vector_load %arg6[%get3A_203] {strides = array<i32>} : memref<16384xf32, #tpu.memory_space<vmem>>, vector<16xf32>,
        %get3A_205 = vector.shape_cast %get3A_204 : vector<16xf32> to vector<16xf32>
        %get3A_206 = arith.index_cast %add3A_202 : i32 to index
        %get3A_207 = tpu.vector_load %arg8[%get3A_206] {strides = array<i32>} : memref<16384xf32, #tpu.memory_space<vmem>>, vector<16xf32>,
        %get3A_208 = vector.shape_cast %get3A_207 : vector<16xf32> to vector<16xf32>
        %add3A_209 = arith.addf %get3A_205, %get3A_208 : vector<16xf32>
        %gt3A_210 = arith.constant 0.000000e+00 : f32
        %gt3A_211 = vector.broadcast %gt3A_210 : f32 to vector<16xf32>
        %gt3A_212 = arith.cmpf ogt, %get3A_205, %gt3A_211 : vector<16xf32>
        %select_n3A_213 = arith.select %gt3A_212, %broadcast_in_dim3A_33, %broadcast_in_dim3A_35 : vector<16xi1>, vector<16xi32>
        %add3A_214 = arith.addi %add3A_166, %select_n3A_213 : vector<16xi32>
        %gt3A_215 = arith.constant 0.000000e+00 : f32
        %gt3A_216 = vector.broadcast %gt3A_215 : f32 to vector<16xf32>
        %gt3A_217 = arith.cmpf ogt, %get3A_208, %gt3A_216 : vector<16xf32>
        %select_n3A_218 = arith.select %gt3A_217, %broadcast_in_dim3A_33, %broadcast_in_dim3A_35 : vector<16xi1>, vector<16xi32>
        %add3A_219 = arith.addi %add3A_171, %select_n3A_218 : vector<16xi32>
        %gt3A_220 = arith.constant 0.000000e+00 : f32
        %gt3A_221 = vector.broadcast %gt3A_220 : f32 to vector<16xf32>
        %gt3A_222 = arith.cmpf ogt, %add3A_209, %gt3A_221 : vector<16xf32>
        %select_n3A_223 = arith.select %gt3A_222, %broadcast_in_dim3A_33, %broadcast_in_dim3A_35 : vector<16xi1>, vector<16xi32>
        %add3A_224 = arith.addi %add3A_176, %select_n3A_223 : vector<16xi32>
        %add3A_225 = arith.constant 64 : i32
        %add3A_226 = arith.addi %mul3A_130, %add3A_225 : i32
        %get3A_227 = arith.index_cast %add3A_226 : i32 to index
        %get3A_228 = tpu.vector_load %arg6[%get3A_227] {strides = array<i32>} : memref<16384xf32, #tpu.memory_space<vmem>>, vector<16xf32>,
        %get3A_229 = vector.shape_cast %get3A_228 : vector<16xf32> to vector<16xf32>
        %get3A_230 = arith.index_cast %add3A_226 : i32 to index
        %get3A_231 = tpu.vector_load %arg8[%get3A_230] {strides = array<i32>} : memref<16384xf32, #tpu.memory_space<vmem>>, vector<16xf32>,
        %get3A_232 = vector.shape_cast %get3A_231 : vector<16xf32> to vector<16xf32>
        %add3A_233 = arith.addf %get3A_229, %get3A_232 : vector<16xf32>
        %gt3A_234 = arith.constant 0.000000e+00 : f32
        %gt3A_235 = vector.broadcast %gt3A_234 : f32 to vector<16xf32>
        %gt3A_236 = arith.cmpf ogt, %get3A_229, %gt3A_235 : vector<16xf32>
        %select_n3A_237 = arith.select %gt3A_236, %broadcast_in_dim3A_33, %broadcast_in_dim3A_35 : vector<16xi1>, vector<16xi32>
        %add3A_238 = arith.addi %add3A_190, %select_n3A_237 : vector<16xi32>
        %gt3A_239 = arith.constant 0.000000e+00 : f32
        %gt3A_240 = vector.broadcast %gt3A_239 : f32 to vector<16xf32>
        %gt3A_241 = arith.cmpf ogt, %get3A_232, %gt3A_240 : vector<16xf32>
        %select_n3A_242 = arith.select %gt3A_241, %broadcast_in_dim3A_33, %broadcast_in_dim3A_35 : vector<16xi1>, vector<16xi32>
        %add3A_243 = arith.addi %add3A_195, %select_n3A_242 : vector<16xi32>
        %gt3A_244 = arith.constant 0.000000e+00 : f32
        %gt3A_245 = vector.broadcast %gt3A_244 : f32 to vector<16xf32>
        %gt3A_246 = arith.cmpf ogt, %add3A_233, %gt3A_245 : vector<16xf32>
        %select_n3A_247 = arith.select %gt3A_246, %broadcast_in_dim3A_33, %broadcast_in_dim3A_35 : vector<16xi1>, vector<16xi32>
        %add3A_248 = arith.addi %add3A_200, %select_n3A_247 : vector<16xi32>
        %add3A_249 = arith.constant 80 : i32
        %add3A_250 = arith.addi %mul3A_130, %add3A_249 : i32
        %get3A_251 = arith.index_cast %add3A_250 : i32 to index
        %get3A_252 = tpu.vector_load %arg6[%get3A_251] {strides = array<i32>} : memref<16384xf32, #tpu.memory_space<vmem>>, vector<16xf32>,
        %get3A_253 = vector.shape_cast %get3A_252 : vector<16xf32> to vector<16xf32>
        %get3A_254 = arith.index_cast %add3A_250 : i32 to index
        %get3A_255 = tpu.vector_load %arg8[%get3A_254] {strides = array<i32>} : memref<16384xf32, #tpu.memory_space<vmem>>, vector<16xf32>,
        %get3A_256 = vector.shape_cast %get3A_255 : vector<16xf32> to vector<16xf32>
        %add3A_257 = arith.addf %get3A_253, %get3A_256 : vector<16xf32>
        %gt3A_258 = arith.constant 0.000000e+00 : f32
        %gt3A_259 = vector.broadcast %gt3A_258 : f32 to vector<16xf32>
        %gt3A_260 = arith.cmpf ogt, %get3A_253, %gt3A_259 : vector<16xf32>
        %select_n3A_261 = arith.select %gt3A_260, %broadcast_in_dim3A_33, %broadcast_in_dim3A_35 : vector<16xi1>, vector<16xi32>
        %add3A_262 = arith.addi %add3A_214, %select_n3A_261 : vector<16xi32>
        %gt3A_263 = arith.constant 0.000000e+00 : f32
        %gt3A_264 = vector.broadcast %gt3A_263 : f32 to vector<16xf32>
        %gt3A_265 = arith.cmpf ogt, %get3A_256, %gt3A_264 : vector<16xf32>
        %select_n3A_266 = arith.select %gt3A_265, %broadcast_in_dim3A_33, %broadcast_in_dim3A_35 : vector<16xi1>, vector<16xi32>
        %add3A_267 = arith.addi %add3A_219, %select_n3A_266 : vector<16xi32>
        %gt3A_268 = arith.constant 0.000000e+00 : f32
        %gt3A_269 = vector.broadcast %gt3A_268 : f32 to vector<16xf32>
        %gt3A_270 = arith.cmpf ogt, %add3A_257, %gt3A_269 : vector<16xf32>
        %select_n3A_271 = arith.select %gt3A_270, %broadcast_in_dim3A_33, %broadcast_in_dim3A_35 : vector<16xi1>, vector<16xi32>
        %add3A_272 = arith.addi %add3A_224, %select_n3A_271 : vector<16xi32>
        %add3A_273 = arith.constant 96 : i32
        %add3A_274 = arith.addi %mul3A_130, %add3A_273 : i32
        %get3A_275 = arith.index_cast %add3A_274 : i32 to index
        %get3A_276 = tpu.vector_load %arg6[%get3A_275] {strides = array<i32>} : memref<16384xf32, #tpu.memory_space<vmem>>, vector<16xf32>,
        %get3A_277 = vector.shape_cast %get3A_276 : vector<16xf32> to vector<16xf32>
        %get3A_278 = arith.index_cast %add3A_274 : i32 to index
        %get3A_279 = tpu.vector_load %arg8[%get3A_278] {strides = array<i32>} : memref<16384xf32, #tpu.memory_space<vmem>>, vector<16xf32>,
        %get3A_280 = vector.shape_cast %get3A_279 : vector<16xf32> to vector<16xf32>
        %add3A_281 = arith.addf %get3A_277, %get3A_280 : vector<16xf32>
        %gt3A_282 = arith.constant 0.000000e+00 : f32
        %gt3A_283 = vector.broadcast %gt3A_282 : f32 to vector<16xf32>
        %gt3A_284 = arith.cmpf ogt, %get3A_277, %gt3A_283 : vector<16xf32>
        %select_n3A_285 = arith.select %gt3A_284, %broadcast_in_dim3A_33, %broadcast_in_dim3A_35 : vector<16xi1>, vector<16xi32>
        %add3A_286 = arith.addi %add3A_238, %select_n3A_285 : vector<16xi32>
        %gt3A_287 = arith.constant 0.000000e+00 : f32
        %gt3A_288 = vector.broadcast %gt3A_287 : f32 to vector<16xf32>
        %gt3A_289 = arith.cmpf ogt, %get3A_280, %gt3A_288 : vector<16xf32>
        %select_n3A_290 = arith.select %gt3A_289, %broadcast_in_dim3A_33, %broadcast_in_dim3A_35 : vector<16xi1>, vector<16xi32>
        %add3A_291 = arith.addi %add3A_243, %select_n3A_290 : vector<16xi32>
        %gt3A_292 = arith.constant 0.000000e+00 : f32
        %gt3A_293 = vector.broadcast %gt3A_292 : f32 to vector<16xf32>
        %gt3A_294 = arith.cmpf ogt, %add3A_281, %gt3A_293 : vector<16xf32>
        %select_n3A_295 = arith.select %gt3A_294, %broadcast_in_dim3A_33, %broadcast_in_dim3A_35 : vector<16xi1>, vector<16xi32>
        %add3A_296 = arith.addi %add3A_248, %select_n3A_295 : vector<16xi32>
        %add3A_297 = arith.constant 112 : i32
        %add3A_298 = arith.addi %mul3A_130, %add3A_297 : i32
        %get3A_299 = arith.index_cast %add3A_298 : i32 to index
        %get3A_300 = tpu.vector_load %arg6[%get3A_299] {strides = array<i32>} : memref<16384xf32, #tpu.memory_space<vmem>>, vector<16xf32>,
        %get3A_301 = vector.shape_cast %get3A_300 : vector<16xf32> to vector<16xf32>
        %get3A_302 = arith.index_cast %add3A_298 : i32 to index
        %get3A_303 = tpu.vector_load %arg8[%get3A_302] {strides = array<i32>} : memref<16384xf32, #tpu.memory_space<vmem>>, vector<16xf32>,
        %get3A_304 = vector.shape_cast %get3A_303 : vector<16xf32> to vector<16xf32>
        %add3A_305 = arith.addf %get3A_301, %get3A_304 : vector<16xf32>
        %gt3A_306 = arith.constant 0.000000e+00 : f32
        %gt3A_307 = vector.broadcast %gt3A_306 : f32 to vector<16xf32>
        %gt3A_308 = arith.cmpf ogt, %get3A_301, %gt3A_307 : vector<16xf32>
        %select_n3A_309 = arith.select %gt3A_308, %broadcast_in_dim3A_33, %broadcast_in_dim3A_35 : vector<16xi1>, vector<16xi32>
        %add3A_310 = arith.addi %add3A_262, %select_n3A_309 : vector<16xi32>
        %gt3A_311 = arith.constant 0.000000e+00 : f32
        %gt3A_312 = vector.broadcast %gt3A_311 : f32 to vector<16xf32>
        %gt3A_313 = arith.cmpf ogt, %get3A_304, %gt3A_312 : vector<16xf32>
        %select_n3A_314 = arith.select %gt3A_313, %broadcast_in_dim3A_33, %broadcast_in_dim3A_35 : vector<16xi1>, vector<16xi32>
        %add3A_315 = arith.addi %add3A_267, %select_n3A_314 : vector<16xi32>
        %gt3A_316 = arith.constant 0.000000e+00 : f32
        %gt3A_317 = vector.broadcast %gt3A_316 : f32 to vector<16xf32>
        %gt3A_318 = arith.cmpf ogt, %add3A_305, %gt3A_317 : vector<16xf32>
        %select_n3A_319 = arith.select %gt3A_318, %broadcast_in_dim3A_33, %broadcast_in_dim3A_35 : vector<16xi1>, vector<16xi32>
        %add3A_320 = arith.addi %add3A_272, %select_n3A_319 : vector<16xi32>
        %add3A_321 = arith.constant 128 : i32
        %add3A_322 = arith.addi %mul3A_130, %add3A_321 : i32
        %get3A_323 = arith.index_cast %add3A_322 : i32 to index
        %get3A_324 = tpu.vector_load %arg6[%get3A_323] {strides = array<i32>} : memref<16384xf32, #tpu.memory_space<vmem>>, vector<16xf32>,
        %get3A_325 = vector.shape_cast %get3A_324 : vector<16xf32> to vector<16xf32>
        %get3A_326 = arith.index_cast %add3A_322 : i32 to index
        %get3A_327 = tpu.vector_load %arg8[%get3A_326] {strides = array<i32>} : memref<16384xf32, #tpu.memory_space<vmem>>, vector<16xf32>,
        %get3A_328 = vector.shape_cast %get3A_327 : vector<16xf32> to vector<16xf32>
        %add3A_329 = arith.addf %get3A_325, %get3A_328 : vector<16xf32>
        %gt3A_330 = arith.constant 0.000000e+00 : f32
        %gt3A_331 = vector.broadcast %gt3A_330 : f32 to vector<16xf32>
        %gt3A_332 = arith.cmpf ogt, %get3A_325, %gt3A_331 : vector<16xf32>
        %select_n3A_333 = arith.select %gt3A_332, %broadcast_in_dim3A_33, %broadcast_in_dim3A_35 : vector<16xi1>, vector<16xi32>
        %add3A_334 = arith.addi %add3A_286, %select_n3A_333 : vector<16xi32>
        %gt3A_335 = arith.constant 0.000000e+00 : f32
        %gt3A_336 = vector.broadcast %gt3A_335 : f32 to vector<16xf32>
        %gt3A_337 = arith.cmpf ogt, %get3A_328, %gt3A_336 : vector<16xf32>
        %select_n3A_338 = arith.select %gt3A_337, %broadcast_in_dim3A_33, %broadcast_in_dim3A_35 : vector<16xi1>, vector<16xi32>
        %add3A_339 = arith.addi %add3A_291, %select_n3A_338 : vector<16xi32>
        %gt3A_340 = arith.constant 0.000000e+00 : f32
        %gt3A_341 = vector.broadcast %gt3A_340 : f32 to vector<16xf32>
        %gt3A_342 = arith.cmpf ogt, %add3A_329, %gt3A_341 : vector<16xf32>
        %select_n3A_343 = arith.select %gt3A_342, %broadcast_in_dim3A_33, %broadcast_in_dim3A_35 : vector<16xi1>, vector<16xi32>
        %add3A_344 = arith.addi %add3A_296, %select_n3A_343 : vector<16xi32>
        %add3A_345 = arith.constant 144 : i32
        %add3A_346 = arith.addi %mul3A_130, %add3A_345 : i32
        %get3A_347 = arith.index_cast %add3A_346 : i32 to index
        %get3A_348 = tpu.vector_load %arg6[%get3A_347] {strides = array<i32>} : memref<16384xf32, #tpu.memory_space<vmem>>, vector<16xf32>,
        %get3A_349 = vector.shape_cast %get3A_348 : vector<16xf32> to vector<16xf32>
        %get3A_350 = arith.index_cast %add3A_346 : i32 to index
        %get3A_351 = tpu.vector_load %arg8[%get3A_350] {strides = array<i32>} : memref<16384xf32, #tpu.memory_space<vmem>>, vector<16xf32>,
        %get3A_352 = vector.shape_cast %get3A_351 : vector<16xf32> to vector<16xf32>
        %add3A_353 = arith.addf %get3A_349, %get3A_352 : vector<16xf32>
        %gt3A_354 = arith.constant 0.000000e+00 : f32
        %gt3A_355 = vector.broadcast %gt3A_354 : f32 to vector<16xf32>
        %gt3A_356 = arith.cmpf ogt, %get3A_349, %gt3A_355 : vector<16xf32>
        %select_n3A_357 = arith.select %gt3A_356, %broadcast_in_dim3A_33, %broadcast_in_dim3A_35 : vector<16xi1>, vector<16xi32>
        %add3A_358 = arith.addi %add3A_310, %select_n3A_357 : vector<16xi32>
        %gt3A_359 = arith.constant 0.000000e+00 : f32
        %gt3A_360 = vector.broadcast %gt3A_359 : f32 to vector<16xf32>
        %gt3A_361 = arith.cmpf ogt, %get3A_352, %gt3A_360 : vector<16xf32>
        %select_n3A_362 = arith.select %gt3A_361, %broadcast_in_dim3A_33, %broadcast_in_dim3A_35 : vector<16xi1>, vector<16xi32>
        %add3A_363 = arith.addi %add3A_315, %select_n3A_362 : vector<16xi32>
        %gt3A_364 = arith.constant 0.000000e+00 : f32
        %gt3A_365 = vector.broadcast %gt3A_364 : f32 to vector<16xf32>
        %gt3A_366 = arith.cmpf ogt, %add3A_353, %gt3A_365 : vector<16xf32>
        %select_n3A_367 = arith.select %gt3A_366, %broadcast_in_dim3A_33, %broadcast_in_dim3A_35 : vector<16xi1>, vector<16xi32>
        %add3A_368 = arith.addi %add3A_320, %select_n3A_367 : vector<16xi32>
        %add3A_369 = arith.constant 160 : i32
        %add3A_370 = arith.addi %mul3A_130, %add3A_369 : i32
        %get3A_371 = arith.index_cast %add3A_370 : i32 to index
        %get3A_372 = tpu.vector_load %arg6[%get3A_371] {strides = array<i32>} : memref<16384xf32, #tpu.memory_space<vmem>>, vector<16xf32>,
        %get3A_373 = vector.shape_cast %get3A_372 : vector<16xf32> to vector<16xf32>
        %get3A_374 = arith.index_cast %add3A_370 : i32 to index
        %get3A_375 = tpu.vector_load %arg8[%get3A_374] {strides = array<i32>} : memref<16384xf32, #tpu.memory_space<vmem>>, vector<16xf32>,
        %get3A_376 = vector.shape_cast %get3A_375 : vector<16xf32> to vector<16xf32>
        %add3A_377 = arith.addf %get3A_373, %get3A_376 : vector<16xf32>
        %gt3A_378 = arith.constant 0.000000e+00 : f32
        %gt3A_379 = vector.broadcast %gt3A_378 : f32 to vector<16xf32>
        %gt3A_380 = arith.cmpf ogt, %get3A_373, %gt3A_379 : vector<16xf32>
        %select_n3A_381 = arith.select %gt3A_380, %broadcast_in_dim3A_33, %broadcast_in_dim3A_35 : vector<16xi1>, vector<16xi32>
        %add3A_382 = arith.addi %add3A_334, %select_n3A_381 : vector<16xi32>
        %gt3A_383 = arith.constant 0.000000e+00 : f32
        %gt3A_384 = vector.broadcast %gt3A_383 : f32 to vector<16xf32>
        %gt3A_385 = arith.cmpf ogt, %get3A_376, %gt3A_384 : vector<16xf32>
        %select_n3A_386 = arith.select %gt3A_385, %broadcast_in_dim3A_33, %broadcast_in_dim3A_35 : vector<16xi1>, vector<16xi32>
        %add3A_387 = arith.addi %add3A_339, %select_n3A_386 : vector<16xi32>
        %gt3A_388 = arith.constant 0.000000e+00 : f32
        %gt3A_389 = vector.broadcast %gt3A_388 : f32 to vector<16xf32>
        %gt3A_390 = arith.cmpf ogt, %add3A_377, %gt3A_389 : vector<16xf32>
        %select_n3A_391 = arith.select %gt3A_390, %broadcast_in_dim3A_33, %broadcast_in_dim3A_35 : vector<16xi1>, vector<16xi32>
        %add3A_392 = arith.addi %add3A_344, %select_n3A_391 : vector<16xi32>
        %add3A_393 = arith.constant 176 : i32
        %add3A_394 = arith.addi %mul3A_130, %add3A_393 : i32
        %get3A_395 = arith.index_cast %add3A_394 : i32 to index
        %get3A_396 = tpu.vector_load %arg6[%get3A_395] {strides = array<i32>} : memref<16384xf32, #tpu.memory_space<vmem>>, vector<16xf32>,
        %get3A_397 = vector.shape_cast %get3A_396 : vector<16xf32> to vector<16xf32>
        %get3A_398 = arith.index_cast %add3A_394 : i32 to index
        %get3A_399 = tpu.vector_load %arg8[%get3A_398] {strides = array<i32>} : memref<16384xf32, #tpu.memory_space<vmem>>, vector<16xf32>,
        %get3A_400 = vector.shape_cast %get3A_399 : vector<16xf32> to vector<16xf32>
        %add3A_401 = arith.addf %get3A_397, %get3A_400 : vector<16xf32>
        %gt3A_402 = arith.constant 0.000000e+00 : f32
        %gt3A_403 = vector.broadcast %gt3A_402 : f32 to vector<16xf32>
        %gt3A_404 = arith.cmpf ogt, %get3A_397, %gt3A_403 : vector<16xf32>
        %select_n3A_405 = arith.select %gt3A_404, %broadcast_in_dim3A_33, %broadcast_in_dim3A_35 : vector<16xi1>, vector<16xi32>
        %add3A_406 = arith.addi %add3A_358, %select_n3A_405 : vector<16xi32>
        %gt3A_407 = arith.constant 0.000000e+00 : f32
        %gt3A_408 = vector.broadcast %gt3A_407 : f32 to vector<16xf32>
        %gt3A_409 = arith.cmpf ogt, %get3A_400, %gt3A_408 : vector<16xf32>
        %select_n3A_410 = arith.select %gt3A_409, %broadcast_in_dim3A_33, %broadcast_in_dim3A_35 : vector<16xi1>, vector<16xi32>
        %add3A_411 = arith.addi %add3A_363, %select_n3A_410 : vector<16xi32>
        %gt3A_412 = arith.constant 0.000000e+00 : f32
        %gt3A_413 = vector.broadcast %gt3A_412 : f32 to vector<16xf32>
        %gt3A_414 = arith.cmpf ogt, %add3A_401, %gt3A_413 : vector<16xf32>
        %select_n3A_415 = arith.select %gt3A_414, %broadcast_in_dim3A_33, %broadcast_in_dim3A_35 : vector<16xi1>, vector<16xi32>
        %add3A_416 = arith.addi %add3A_368, %select_n3A_415 : vector<16xi32>
        %add3A_417 = arith.constant 192 : i32
        %add3A_418 = arith.addi %mul3A_130, %add3A_417 : i32
        %get3A_419 = arith.index_cast %add3A_418 : i32 to index
        %get3A_420 = tpu.vector_load %arg6[%get3A_419] {strides = array<i32>} : memref<16384xf32, #tpu.memory_space<vmem>>, vector<16xf32>,
        %get3A_421 = vector.shape_cast %get3A_420 : vector<16xf32> to vector<16xf32>
        %get3A_422 = arith.index_cast %add3A_418 : i32 to index
        %get3A_423 = tpu.vector_load %arg8[%get3A_422] {strides = array<i32>} : memref<16384xf32, #tpu.memory_space<vmem>>, vector<16xf32>,
        %get3A_424 = vector.shape_cast %get3A_423 : vector<16xf32> to vector<16xf32>
        %add3A_425 = arith.addf %get3A_421, %get3A_424 : vector<16xf32>
        %gt3A_426 = arith.constant 0.000000e+00 : f32
        %gt3A_427 = vector.broadcast %gt3A_426 : f32 to vector<16xf32>
        %gt3A_428 = arith.cmpf ogt, %get3A_421, %gt3A_427 : vector<16xf32>
        %select_n3A_429 = arith.select %gt3A_428, %broadcast_in_dim3A_33, %broadcast_in_dim3A_35 : vector<16xi1>, vector<16xi32>
        %add3A_430 = arith.addi %add3A_382, %select_n3A_429 : vector<16xi32>
        %gt3A_431 = arith.constant 0.000000e+00 : f32
        %gt3A_432 = vector.broadcast %gt3A_431 : f32 to vector<16xf32>
        %gt3A_433 = arith.cmpf ogt, %get3A_424, %gt3A_432 : vector<16xf32>
        %select_n3A_434 = arith.select %gt3A_433, %broadcast_in_dim3A_33, %broadcast_in_dim3A_35 : vector<16xi1>, vector<16xi32>
        %add3A_435 = arith.addi %add3A_387, %select_n3A_434 : vector<16xi32>
        %gt3A_436 = arith.constant 0.000000e+00 : f32
        %gt3A_437 = vector.broadcast %gt3A_436 : f32 to vector<16xf32>
        %gt3A_438 = arith.cmpf ogt, %add3A_425, %gt3A_437 : vector<16xf32>
        %select_n3A_439 = arith.select %gt3A_438, %broadcast_in_dim3A_33, %broadcast_in_dim3A_35 : vector<16xi1>, vector<16xi32>
        %add3A_440 = arith.addi %add3A_392, %select_n3A_439 : vector<16xi32>
        %add3A_441 = arith.constant 208 : i32
        %add3A_442 = arith.addi %mul3A_130, %add3A_441 : i32
        %get3A_443 = arith.index_cast %add3A_442 : i32 to index
        %get3A_444 = tpu.vector_load %arg6[%get3A_443] {strides = array<i32>} : memref<16384xf32, #tpu.memory_space<vmem>>, vector<16xf32>,
        %get3A_445 = vector.shape_cast %get3A_444 : vector<16xf32> to vector<16xf32>
        %get3A_446 = arith.index_cast %add3A_442 : i32 to index
        %get3A_447 = tpu.vector_load %arg8[%get3A_446] {strides = array<i32>} : memref<16384xf32, #tpu.memory_space<vmem>>, vector<16xf32>,
        %get3A_448 = vector.shape_cast %get3A_447 : vector<16xf32> to vector<16xf32>
        %add3A_449 = arith.addf %get3A_445, %get3A_448 : vector<16xf32>
        %gt3A_450 = arith.constant 0.000000e+00 : f32
        %gt3A_451 = vector.broadcast %gt3A_450 : f32 to vector<16xf32>
        %gt3A_452 = arith.cmpf ogt, %get3A_445, %gt3A_451 : vector<16xf32>
        %select_n3A_453 = arith.select %gt3A_452, %broadcast_in_dim3A_33, %broadcast_in_dim3A_35 : vector<16xi1>, vector<16xi32>
        %add3A_454 = arith.addi %add3A_406, %select_n3A_453 : vector<16xi32>
        %gt3A_455 = arith.constant 0.000000e+00 : f32
        %gt3A_456 = vector.broadcast %gt3A_455 : f32 to vector<16xf32>
        %gt3A_457 = arith.cmpf ogt, %get3A_448, %gt3A_456 : vector<16xf32>
        %select_n3A_458 = arith.select %gt3A_457, %broadcast_in_dim3A_33, %broadcast_in_dim3A_35 : vector<16xi1>, vector<16xi32>
        %add3A_459 = arith.addi %add3A_411, %select_n3A_458 : vector<16xi32>
        %gt3A_460 = arith.constant 0.000000e+00 : f32
        %gt3A_461 = vector.broadcast %gt3A_460 : f32 to vector<16xf32>
        %gt3A_462 = arith.cmpf ogt, %add3A_449, %gt3A_461 : vector<16xf32>
        %select_n3A_463 = arith.select %gt3A_462, %broadcast_in_dim3A_33, %broadcast_in_dim3A_35 : vector<16xi1>, vector<16xi32>
        %add3A_464 = arith.addi %add3A_416, %select_n3A_463 : vector<16xi32>
        %add3A_465 = arith.constant 224 : i32
        %add3A_466 = arith.addi %mul3A_130, %add3A_465 : i32
        %get3A_467 = arith.index_cast %add3A_466 : i32 to index
        %get3A_468 = tpu.vector_load %arg6[%get3A_467] {strides = array<i32>} : memref<16384xf32, #tpu.memory_space<vmem>>, vector<16xf32>,
        %get3A_469 = vector.shape_cast %get3A_468 : vector<16xf32> to vector<16xf32>
        %get3A_470 = arith.index_cast %add3A_466 : i32 to index
        %get3A_471 = tpu.vector_load %arg8[%get3A_470] {strides = array<i32>} : memref<16384xf32, #tpu.memory_space<vmem>>, vector<16xf32>,
        %get3A_472 = vector.shape_cast %get3A_471 : vector<16xf32> to vector<16xf32>
        %add3A_473 = arith.addf %get3A_469, %get3A_472 : vector<16xf32>
        %gt3A_474 = arith.constant 0.000000e+00 : f32
        %gt3A_475 = vector.broadcast %gt3A_474 : f32 to vector<16xf32>
        %gt3A_476 = arith.cmpf ogt, %get3A_469, %gt3A_475 : vector<16xf32>
        %select_n3A_477 = arith.select %gt3A_476, %broadcast_in_dim3A_33, %broadcast_in_dim3A_35 : vector<16xi1>, vector<16xi32>
        %add3A_478 = arith.addi %add3A_430, %select_n3A_477 : vector<16xi32>
        %gt3A_479 = arith.constant 0.000000e+00 : f32
        %gt3A_480 = vector.broadcast %gt3A_479 : f32 to vector<16xf32>
        %gt3A_481 = arith.cmpf ogt, %get3A_472, %gt3A_480 : vector<16xf32>
        %select_n3A_482 = arith.select %gt3A_481, %broadcast_in_dim3A_33, %broadcast_in_dim3A_35 : vector<16xi1>, vector<16xi32>
        %add3A_483 = arith.addi %add3A_435, %select_n3A_482 : vector<16xi32>
        %gt3A_484 = arith.constant 0.000000e+00 : f32
        %gt3A_485 = vector.broadcast %gt3A_484 : f32 to vector<16xf32>
        %gt3A_486 = arith.cmpf ogt, %add3A_473, %gt3A_485 : vector<16xf32>
        %select_n3A_487 = arith.select %gt3A_486, %broadcast_in_dim3A_33, %broadcast_in_dim3A_35 : vector<16xi1>, vector<16xi32>
        %add3A_488 = arith.addi %add3A_440, %select_n3A_487 : vector<16xi32>
        %add3A_489 = arith.constant 240 : i32
        %add3A_490 = arith.addi %mul3A_130, %add3A_489 : i32
        %get3A_491 = arith.index_cast %add3A_490 : i32 to index
        %get3A_492 = tpu.vector_load %arg6[%get3A_491] {strides = array<i32>} : memref<16384xf32, #tpu.memory_space<vmem>>, vector<16xf32>,
        %get3A_493 = vector.shape_cast %get3A_492 : vector<16xf32> to vector<16xf32>
        %get3A_494 = arith.index_cast %add3A_490 : i32 to index
        %get3A_495 = tpu.vector_load %arg8[%get3A_494] {strides = array<i32>} : memref<16384xf32, #tpu.memory_space<vmem>>, vector<16xf32>,
        %get3A_496 = vector.shape_cast %get3A_495 : vector<16xf32> to vector<16xf32>
        %add3A_497 = arith.addf %get3A_493, %get3A_496 : vector<16xf32>
        %gt3A_498 = arith.constant 0.000000e+00 : f32
        %gt3A_499 = vector.broadcast %gt3A_498 : f32 to vector<16xf32>
        %gt3A_500 = arith.cmpf ogt, %get3A_493, %gt3A_499 : vector<16xf32>
        %select_n3A_501 = arith.select %gt3A_500, %broadcast_in_dim3A_33, %broadcast_in_dim3A_35 : vector<16xi1>, vector<16xi32>
        %add3A_502 = arith.addi %add3A_454, %select_n3A_501 : vector<16xi32>
        %gt3A_503 = arith.constant 0.000000e+00 : f32
        %gt3A_504 = vector.broadcast %gt3A_503 : f32 to vector<16xf32>
        %gt3A_505 = arith.cmpf ogt, %get3A_496, %gt3A_504 : vector<16xf32>
        %select_n3A_506 = arith.select %gt3A_505, %broadcast_in_dim3A_33, %broadcast_in_dim3A_35 : vector<16xi1>, vector<16xi32>
        %add3A_507 = arith.addi %add3A_459, %select_n3A_506 : vector<16xi32>
        %gt3A_508 = arith.constant 0.000000e+00 : f32
        %gt3A_509 = vector.broadcast %gt3A_508 : f32 to vector<16xf32>
        %gt3A_510 = arith.cmpf ogt, %add3A_497, %gt3A_509 : vector<16xf32>
        %select_n3A_511 = arith.select %gt3A_510, %broadcast_in_dim3A_33, %broadcast_in_dim3A_35 : vector<16xi1>, vector<16xi32>
        %add3A_512 = arith.addi %add3A_464, %select_n3A_511 : vector<16xi32>
        scf.yield %add3A_478, %add3A_502, %add3A_483, %add3A_507, %add3A_488, %add3A_512 : vector<16xi32>, vector<16xi32>, vector<16xi32>, vector<16xi32>, vector<16xi32>, vector<16xi32>
      }
      %scan3A_121 = arith.constant 64 : i32
      scf.yield %scan3A_120#0, %scan3A_120#1, %scan3A_120#2, %scan3A_120#3, %scan3A_120#4, %scan3A_120#5 : vector<16xi32>, vector<16xi32>, vector<16xi32>, vector<16xi32>, vector<16xi32>, vector<16xi32>
    }
    %scan3A_51 = arith.constant 4 : i32
    %add3A_52 = arith.addi %scan3A_50#0, %scan3A_50#1 : vector<16xi32>
    %swap3A = arith.constant 0 : index
    %swap3A_53 = tpu.vector_load %arg9[%swap3A] {strides = array<i32>} : memref<48xi32, #tpu.memory_space<vmem>>, vector<16xi32>,
    %swap3A_54 = vector.shape_cast %swap3A_53 : vector<16xi32> to vector<16xi32>
    %swap3A_55 = vector.shape_cast %add3A_52 : vector<16xi32> to vector<16xi32>
    tpu.vector_store %arg9[%swap3A], %swap3A_55 {strides = array<i32>} : memref<48xi32, #tpu.memory_space<vmem>>, vector<16xi32>,
    %add3A_56 = arith.addi %scan3A_50#2, %scan3A_50#3 : vector<16xi32>
    %swap3A_57 = arith.constant 16 : index
    %swap3A_58 = tpu.vector_load %arg9[%swap3A_57] {strides = array<i32>} : memref<48xi32, #tpu.memory_space<vmem>>, vector<16xi32>,
    %swap3A_59 = vector.shape_cast %swap3A_58 : vector<16xi32> to vector<16xi32>
    %swap3A_60 = vector.shape_cast %add3A_56 : vector<16xi32> to vector<16xi32>
    tpu.vector_store %arg9[%swap3A_57], %swap3A_60 {strides = array<i32>} : memref<48xi32, #tpu.memory_space<vmem>>, vector<16xi32>,
    %add3A_61 = arith.addi %scan3A_50#4, %scan3A_50#5 : vector<16xi32>
    %swap3A_62 = arith.constant 32 : index
    %swap3A_63 = tpu.vector_load %arg9[%swap3A_62] {strides = array<i32>} : memref<48xi32, #tpu.memory_space<vmem>>, vector<16xi32>,
    %swap3A_64 = vector.shape_cast %swap3A_63 : vector<16xi32> to vector<16xi32>
    %swap3A_65 = vector.shape_cast %add3A_61 : vector<16xi32> to vector<16xi32>
    tpu.vector_store %arg9[%swap3A_62], %swap3A_65 {strides = array<i32>} : memref<48xi32, #tpu.memory_space<vmem>>, vector<16xi32>,
    "tpu.region"() ({
      %run_scoped3A = tpu.sem_alloc : memref<!tpu.dma_semaphore, #tpu.memory_space<semaphore_mem>>
      %dma_start3A_66 = arith.constant 0 : i32
      %dma_start3A_67 = tpu.memref_slice %arg4[%add3A, %dma_start3A_66] : memref<32x48xi32, #tpu.memory_space<hbm>> -> memref<1x48xi32, #tpu.memory_space<hbm>>
      %dma_start3A_68 = tpu.memref_squeeze %dma_start3A_67 : memref<1x48xi32, #tpu.memory_space<hbm>> -> memref<48xi32, #tpu.memory_space<hbm>>
      %dma_start3A_69 = arith.constant 0 : i32
      %dma_start3A_70 = tpu.memref_slice %arg4[%add3A, %dma_start3A_69] : memref<32x48xi32, #tpu.memory_space<hbm>> -> memref<1x48xi32, #tpu.memory_space<hbm>>
      %dma_start3A_71 = tpu.memref_squeeze %dma_start3A_70 : memref<1x48xi32, #tpu.memory_space<hbm>> -> memref<48xi32, #tpu.memory_space<hbm>>
      tpu.enqueue_dma source(%arg9 : memref<48xi32, #tpu.memory_space<vmem>>) target(%dma_start3A_71 : memref<48xi32, #tpu.memory_space<hbm>>) target_semaphore(%run_scoped3A : memref<!tpu.dma_semaphore, #tpu.memory_space<semaphore_mem>>)
      %dma_wait3A = arith.constant 0 : i32
      %dma_wait3A_72 = tpu.memref_slice %arg4[%add3A, %dma_wait3A] : memref<32x48xi32, #tpu.memory_space<hbm>> -> memref<1x48xi32, #tpu.memory_space<hbm>>
      %dma_wait3A_73 = tpu.memref_squeeze %dma_wait3A_72 : memref<1x48xi32, #tpu.memory_space<hbm>> -> memref<48xi32, #tpu.memory_space<hbm>>
      %dma_wait3A_74 = arith.constant 0 : i32
      %dma_wait3A_75 = tpu.memref_slice %arg4[%add3A, %dma_wait3A_74] : memref<32x48xi32, #tpu.memory_space<hbm>> -> memref<1x48xi32, #tpu.memory_space<hbm>>
      %dma_wait3A_76 = tpu.memref_squeeze %dma_wait3A_75 : memref<1x48xi32, #tpu.memory_space<hbm>> -> memref<48xi32, #tpu.memory_space<hbm>>
      tpu.wait_dma2 semaphore(%run_scoped3A : memref<!tpu.dma_semaphore, #tpu.memory_space<semaphore_mem>>) src(%arg9 : memref<48xi32, #tpu.memory_space<vmem>>) dst(%dma_wait3A_76 : memref<48xi32, #tpu.memory_space<hbm>>)
      tpu.yield
    }) : () -> ()
    return
  }
}

module attributes {stable_mosaic.version = 14 : i64} {
  func.func @_tc_count_body(%arg0: i32, %arg1: i32, %arg2: memref<16x65536xf32, #tpu.memory_space<vmem>>, %arg3: memref<16x65536xf32, #tpu.memory_space<vmem>>, %arg4: memref<1x3x16x1xf32, #tpu.memory_space<vmem>>) attributes {dimension_semantics = [#tpu.dimension_semantics<parallel>, #tpu.dimension_semantics<arbitrary>], iteration_bounds = array<i64: 2, 6>, scalar_prefetch = 0 : i64, scratch_operands = 0 : i64, tpu.core_type = #tpu.core_type<tc>, window_params = [{transform_indices = @transform_0, window_bounds = array<i64: 16, 65536>}, {transform_indices = @transform_1, window_bounds = array<i64: 16, 65536>}, {transform_indices = @transform_2, window_bounds = array<i64: 1, 3, 16, 1>}]} {
    %eq3A = arith.constant 0 : i32
    %eq3A_0 = arith.cmpi eq, %arg1, %eq3A : i32
    %convert_element_type3A = arith.extui %eq3A_0 : i1 to i32
    %cond3A = arith.constant 0 : i32
    %cond3A_1 = arith.cmpi ne, %convert_element_type3A, %cond3A : i32
    scf.if %cond3A_1 {
      %broadcast_in_dim3A_76 = arith.constant 0.000000e+00 : f32
      %broadcast_in_dim3A_77 = vector.broadcast %broadcast_in_dim3A_76 : f32 to vector<1x3x16x1xf32>
      %swap3A_78 = arith.constant 0 : index
      %swap3A_79 = arith.constant 0 : index
      %swap3A_80 = arith.constant 0 : index
      %swap3A_81 = arith.constant 0 : index
      %swap3A_82 = vector.load %arg4[%swap3A_78, %swap3A_79, %swap3A_80, %swap3A_81] : memref<1x3x16x1xf32, #tpu.memory_space<vmem>>, vector<1x3x16x1xf32>
      tpu.vector_store %arg4[%swap3A_78, %swap3A_79, %swap3A_80, %swap3A_81], %broadcast_in_dim3A_77 {strides = array<i32>} : memref<1x3x16x1xf32, #tpu.memory_space<vmem>>, vector<1x3x16x1xf32>,
    } else {
    }
    %get3A = arith.constant 0 : index
    %get3A_2 = arith.constant 0 : index
    %get3A_3 = vector.load %arg2[%get3A, %get3A_2] : memref<16x65536xf32, #tpu.memory_space<vmem>>, vector<16x65536xf32>
    %get3A_4 = arith.constant 0 : index
    %get3A_5 = arith.constant 0 : index
    %get3A_6 = vector.load %arg3[%get3A_4, %get3A_5] : memref<16x65536xf32, #tpu.memory_space<vmem>>, vector<16x65536xf32>
    %add3A = arith.addf %get3A_3, %get3A_6 : vector<16x65536xf32>
    %gt3A = arith.constant 0.000000e+00 : f32
    %gt3A_7 = vector.broadcast %gt3A : f32 to vector<16x65536xf32>
    %gt3A_8 = arith.cmpf ogt, %get3A_3, %gt3A_7 : vector<16x65536xf32>
    %jit3A = arith.constant 1.000000e+00 : f32
    %jit3A_9 = arith.constant 0.000000e+00 : f32
    %broadcast_in_dim3A = vector.broadcast %jit3A : f32 to vector<16x65536xf32>
    %broadcast_in_dim3A_10 = vector.broadcast %jit3A_9 : f32 to vector<16x65536xf32>
    %select_n3A = arith.select %gt3A_8, %broadcast_in_dim3A, %broadcast_in_dim3A_10 : vector<16x65536xi1>, vector<16x65536xf32>
    %reduce_sum3A = arith.constant dense<0.000000e+00> : vector<16xf32>
    %reduce_sum3A_11 = vector.multi_reduction <add>, %select_n3A, %reduce_sum3A [1] : vector<16x65536xf32> to vector<16xf32>
    %broadcast_in_dim3A_12 = vector.shape_cast %reduce_sum3A_11 : vector<16xf32> to vector<16x1xf32>
    %gt3A_13 = arith.constant 0.000000e+00 : f32
    %gt3A_14 = vector.broadcast %gt3A_13 : f32 to vector<16x65536xf32>
    %gt3A_15 = arith.cmpf ogt, %get3A_6, %gt3A_14 : vector<16x65536xf32>
    %jit3A_16 = arith.constant 1.000000e+00 : f32
    %jit3A_17 = arith.constant 0.000000e+00 : f32
    %broadcast_in_dim3A_18 = vector.broadcast %jit3A_16 : f32 to vector<16x65536xf32>
    %broadcast_in_dim3A_19 = vector.broadcast %jit3A_17 : f32 to vector<16x65536xf32>
    %select_n3A_20 = arith.select %gt3A_15, %broadcast_in_dim3A_18, %broadcast_in_dim3A_19 : vector<16x65536xi1>, vector<16x65536xf32>
    %reduce_sum3A_21 = arith.constant dense<0.000000e+00> : vector<16xf32>
    %reduce_sum3A_22 = vector.multi_reduction <add>, %select_n3A_20, %reduce_sum3A_21 [1] : vector<16x65536xf32> to vector<16xf32>
    %broadcast_in_dim3A_23 = vector.shape_cast %reduce_sum3A_22 : vector<16xf32> to vector<16x1xf32>
    %gt3A_24 = arith.constant 0.000000e+00 : f32
    %gt3A_25 = vector.broadcast %gt3A_24 : f32 to vector<16x65536xf32>
    %gt3A_26 = arith.cmpf ogt, %add3A, %gt3A_25 : vector<16x65536xf32>
    %jit3A_27 = arith.constant 1.000000e+00 : f32
    %jit3A_28 = arith.constant 0.000000e+00 : f32
    %broadcast_in_dim3A_29 = vector.broadcast %jit3A_27 : f32 to vector<16x65536xf32>
    %broadcast_in_dim3A_30 = vector.broadcast %jit3A_28 : f32 to vector<16x65536xf32>
    %select_n3A_31 = arith.select %gt3A_26, %broadcast_in_dim3A_29, %broadcast_in_dim3A_30 : vector<16x65536xi1>, vector<16x65536xf32>
    %reduce_sum3A_32 = arith.constant dense<0.000000e+00> : vector<16xf32>
    %reduce_sum3A_33 = vector.multi_reduction <add>, %select_n3A_31, %reduce_sum3A_32 [1] : vector<16x65536xf32> to vector<16xf32>
    %broadcast_in_dim3A_34 = vector.shape_cast %reduce_sum3A_33 : vector<16xf32> to vector<16x1xf32>
    %get3A_35 = arith.constant 0 : index
    %get3A_36 = arith.constant 0 : index
    %get3A_37 = arith.constant 0 : index
    %get3A_38 = arith.constant 0 : index
    %get3A_39 = vector.load %arg4[%get3A_35, %get3A_36, %get3A_37, %get3A_38] : memref<1x3x16x1xf32, #tpu.memory_space<vmem>>, vector<1x1x16x1xf32>
    %get3A_40 = vector.shape_cast %get3A_39 : vector<1x1x16x1xf32> to vector<16x1xf32>
    %add3A_41 = arith.addf %get3A_40, %broadcast_in_dim3A_12 : vector<16x1xf32>
    %swap3A = arith.constant 0 : index
    %swap3A_42 = arith.constant 0 : index
    %swap3A_43 = arith.constant 0 : index
    %swap3A_44 = arith.constant 0 : index
    %swap3A_45 = vector.load %arg4[%swap3A, %swap3A_42, %swap3A_43, %swap3A_44] : memref<1x3x16x1xf32, #tpu.memory_space<vmem>>, vector<1x1x16x1xf32>
    %swap3A_46 = vector.shape_cast %swap3A_45 : vector<1x1x16x1xf32> to vector<16x1xf32>
    %swap3A_47 = vector.shape_cast %add3A_41 : vector<16x1xf32> to vector<1x1x16x1xf32>
    tpu.vector_store %arg4[%swap3A, %swap3A_42, %swap3A_43, %swap3A_44], %swap3A_47 {strides = array<i32>} : memref<1x3x16x1xf32, #tpu.memory_space<vmem>>, vector<1x1x16x1xf32>,
    %get3A_48 = arith.constant 0 : index
    %get3A_49 = arith.constant 1 : index
    %get3A_50 = arith.constant 0 : index
    %get3A_51 = arith.constant 0 : index
    %get3A_52 = vector.load %arg4[%get3A_48, %get3A_49, %get3A_50, %get3A_51] : memref<1x3x16x1xf32, #tpu.memory_space<vmem>>, vector<1x1x16x1xf32>
    %get3A_53 = vector.shape_cast %get3A_52 : vector<1x1x16x1xf32> to vector<16x1xf32>
    %add3A_54 = arith.addf %get3A_53, %broadcast_in_dim3A_23 : vector<16x1xf32>
    %swap3A_55 = arith.constant 0 : index
    %swap3A_56 = arith.constant 1 : index
    %swap3A_57 = arith.constant 0 : index
    %swap3A_58 = arith.constant 0 : index
    %swap3A_59 = vector.load %arg4[%swap3A_55, %swap3A_56, %swap3A_57, %swap3A_58] : memref<1x3x16x1xf32, #tpu.memory_space<vmem>>, vector<1x1x16x1xf32>
    %swap3A_60 = vector.shape_cast %swap3A_59 : vector<1x1x16x1xf32> to vector<16x1xf32>
    %swap3A_61 = vector.shape_cast %add3A_54 : vector<16x1xf32> to vector<1x1x16x1xf32>
    tpu.vector_store %arg4[%swap3A_55, %swap3A_56, %swap3A_57, %swap3A_58], %swap3A_61 {strides = array<i32>} : memref<1x3x16x1xf32, #tpu.memory_space<vmem>>, vector<1x1x16x1xf32>,
    %get3A_62 = arith.constant 0 : index
    %get3A_63 = arith.constant 2 : index
    %get3A_64 = arith.constant 0 : index
    %get3A_65 = arith.constant 0 : index
    %get3A_66 = vector.load %arg4[%get3A_62, %get3A_63, %get3A_64, %get3A_65] : memref<1x3x16x1xf32, #tpu.memory_space<vmem>>, vector<1x1x16x1xf32>
    %get3A_67 = vector.shape_cast %get3A_66 : vector<1x1x16x1xf32> to vector<16x1xf32>
    %add3A_68 = arith.addf %get3A_67, %broadcast_in_dim3A_34 : vector<16x1xf32>
    %swap3A_69 = arith.constant 0 : index
    %swap3A_70 = arith.constant 2 : index
    %swap3A_71 = arith.constant 0 : index
    %swap3A_72 = arith.constant 0 : index
    %swap3A_73 = vector.load %arg4[%swap3A_69, %swap3A_70, %swap3A_71, %swap3A_72] : memref<1x3x16x1xf32, #tpu.memory_space<vmem>>, vector<1x1x16x1xf32>
    %swap3A_74 = vector.shape_cast %swap3A_73 : vector<1x1x16x1xf32> to vector<16x1xf32>
    %swap3A_75 = vector.shape_cast %add3A_68 : vector<16x1xf32> to vector<1x1x16x1xf32>
    tpu.vector_store %arg4[%swap3A_69, %swap3A_70, %swap3A_71, %swap3A_72], %swap3A_75 {strides = array<i32>} : memref<1x3x16x1xf32, #tpu.memory_space<vmem>>, vector<1x1x16x1xf32>,
    return
  }
  func.func @transform_0(%arg0: i32, %arg1: i32) -> (i32, i32) {
    %mul3A = arith.constant 6 : i32
    %mul3A_0 = arith.muli %arg0, %mul3A : i32
    %add3A = arith.constant 4 : i32
    %add3A_1 = arith.addi %add3A, %mul3A_0 : i32
    %add3A_2 = arith.addi %add3A_1, %arg1 : i32
    %c0_i32 = arith.constant 0 : i32
    %c0_i32_3 = arith.constant 0 : i32
    return %c0_i32, %add3A_2 : i32, i32
  }
  func.func @transform_1(%arg0: i32, %arg1: i32) -> (i32, i32) {
    %mul3A = arith.constant 6 : i32
    %mul3A_0 = arith.muli %arg0, %mul3A : i32
    %add3A = arith.constant 4 : i32
    %add3A_1 = arith.addi %add3A, %mul3A_0 : i32
    %add3A_2 = arith.addi %add3A_1, %arg1 : i32
    %c0_i32 = arith.constant 0 : i32
    %c0_i32_3 = arith.constant 0 : i32
    return %c0_i32, %add3A_2 : i32, i32
  }
  func.func @transform_2(%arg0: i32, %arg1: i32) -> (i32, i32, i32, i32) {
    %c0_i32 = arith.constant 0 : i32
    %c0_i32_0 = arith.constant 0 : i32
    %c0_i32_1 = arith.constant 0 : i32
    %c0_i32_2 = arith.constant 0 : i32
    return %arg0, %c0_i32, %c0_i32_0, %c0_i32_1 : i32, i32, i32, i32
  }
}

</mosaic_0001>

<sc_bundles>
// kernel: kernel.4.cloned.1.call-start
scs
__scs_entry_jumppad:
0x0: {  	(pc) =	sbr.rel $0x88, $3  }
0x1: {  	(tag) =	ssettag $0x0;
	lr =	simm.s32 $0x1  }
0x2: {  	[smem:$0x3F9F] =	sst lr;
	_ =	strace $0xD0000000  }
0x3: {  	_ = 	snop  }
0x4: {  	_ = 	snop  }
0x5: {  	_ = 	snop  }
0x6: {  	_ = 	snop  }
0x7: {  	_ = 	snop  }
__scs_overlays_trampoline_lowered:
0x8: {  	[smem:$0x3FAE] =	sst s0  }
0x9: {  	[smem:$0x3FAF] =	sst s1  }
0xa: {  	[smem:$0x3FB0] =	sst s2  }
0xb: {  	[smem:$0x3FB1] =	sst s3  }
0xc: {  	[smem:$0x3FB2] =	sst s4  }
0xd: {  	[smem:$0x3FB3] =	sst s5  }
0xe: {  	[smem:$0x3FB4] =	sst s6  }
0xf: {  	[smem:$0x3FB5] =	sst s7  }
0x10: {  	[smem:$0x3FB6] =	sst s8  }
0x11: {  	[smem:$0x3FB7] =	sst s9;
	s0 =	simm.s32 @!p0 $0x0  }
0x12: {  	s1 =	sld [smem:$0x3F9D];
	s0 =	simm.s32 @p0 $0x1  }
0x13: {  	[smem:$0x3FB8] =	sst s0;
	s0 =	simm.s32 @!p1 $0x0  }
0x14: {  	s2 =	sld [smem:$0x3F9C];
	s0 =	simm.s32 @p1 $0x1  }
0x15: {  	[smem:$0x3FB9] =	sst s0;
	s0 =	simm.s32 @!p2 $0x0  }
0x16: {  	s3 =	sld [smem:$0x3FDB];
	s0 =	simm.s32 @p2 $0x1  }
0x17: {  	s4 =	simm.s32 $0x1BF5;
	[smem:$0x3FBB] =	sst s0  }
0x18: {  	s0 =	sld [smem:$0x3F9E];
	_ =	swait.ge [sflag:s4], $0x0  }
0x19: {  	s7 =	sld [smem:$0x3F9F]  }
0x1a: {  	s8 =	sadd.s32 $0xFFFFE003, lr  }
0x1b: {  	s9 =	sadd.s32 $0xFFFFFEF7, lr;
	s5 =	simm.s32 $0xFFFFFFFF;
	p2 =	slt.u32 s8, $0xFFFFF086  }
0x1c: {  	p1 =	slt.u32 s9, $0xF7A;
	s5 =	simm.s32 @!p2 $0x0  }
0x1d: {  	s5 =	simm.s32 @p1 $0x1;
	p0 =	seq.s32 s7, s2  }
0x1e: {  	s7 =	smul.u32 @!p0 $0xF7A, s2;
	p2 =	seq.s32 @!p0 s5, $0x0  }
0x1f: {  	s9 =	smul.u32 $0xF7A, s1;
	s8 =	simm.s32 @!p0 $0x1BF5;
	p2 =	por !p2, p0  }
0x20: {  	[sflag:s8] =	ssyncset.s32 @!p0 $0xFFFFF086;
	s6 =	sadd.s32 @!p0 s3, s7;
	s7 =	simm.s32 @!p0 $0x108  }
0x21: {  	s3 =	sadd.s32 s3, s9;
	s6 =	sadd.s32 @!p0 $0x88, s6;
	s7 =	simm.s32 @p2 $0x1082  }
0x22: {  	[simem:s7], [sflag:s8] =	dma.local @!p0 [hbm:s6], $0xF7A  }
0x23: {  	s9 =	sor.u32 $0xD0000000, s2;
	s6 =	simm.s32 $0x108;
	_ =	swait.ge @!p0 [sflag:s8], $0x0  }
0x24: {  	s3 =	sadd.s32 $0x88, s3;
	s6 =	simm.s32 @!p1 $0x1082;
	[sflag:s4] =	ssyncset.s32 $0xFFFFF086  }
0x25: {  	[simem:s6], [sflag:s4] =	dma.local [hbm:s3], $0xF7A  }
0x26: {  	[smem:$0x3F9F] =	sst s1;
	(tag) =	ssettag s2;
	_ =	strace s9  }
0x27: {  	s1 =	sld [smem:$0x3FAF]  }
0x28: {  	s2 =	sld [smem:$0x3FB0]  }
0x29: {  	s4 =	sld [smem:$0x3FB2]  }
0x2a: {  	p0 =	seq.s32 s5, $0x0;
	s5 =	sld [smem:$0x3FB3]  }
0x2b: {  	s6 =	sld [smem:$0x3FB4]  }
0x2c: {  	s7 =	sld [smem:$0x3FB5]  }
0x2d: {  	s3 =	simm.s32 $0x108;
	s8 =	sld [smem:$0x3FB6]  }
0x2e: {  	s3 =	simm.s32 @!p0 $0x1082;
	s9 =	sld [smem:$0x3FB7]  }
0x2f: {  	lr =	sadd.s32 s0, s3;
	s0 =	sld [smem:$0x3FAE]  }
0x30: {  	s3 =	sld [smem:$0x3FB1]  }
0x31: {  	[smem:$0x3FBA] =	sst s10  }
0x32: {  	s10 =	sld [smem:$0x3FB8];
	_ =	sdelay $0x3  }
0x33: {  	p0 =	seq.s32 s10, $0x1;
	s10 =	sld [smem:$0x3FBA];
	_ =	sdelay $0x3  }
0x34: {  	[smem:$0x3FBA] =	sst s10  }
0x35: {  	s10 =	sld [smem:$0x3FB9];
	_ =	sdelay $0x3  }
0x36: {  	p1 =	seq.s32 s10, $0x1;
	s10 =	sld [smem:$0x3FBA];
	_ =	sdelay $0x3  }
0x37: {  	[smem:$0x3FBA] =	sst s10  }
0x38: {  	s10 =	sld [smem:$0x3FBB]  }
0x39: {  	_ = 	snop;
	(pc) =	sbr.ind lr, $3  }
0x3a: {  	_ = 	snop  }
0x3b: {  	_ = 	snop  }
0x3c: {  	p2 =	seq.s32 s10, $0x1;
	s10 =	sld [smem:$0x3FBA]  }
0x3d: {  	_ =	shalt  }
0x3e: {  	_ =	shalt  }
0x3f: {  	_ =	shalt  }
0x40: {  	_ =	shalt  }
0x41: {  	_ =	shalt  }
0x42: {  	_ =	shalt  }
0x43: {  	_ =	shalt  }
0x44: {  	_ =	shalt  }
0x45: {  	_ =	shalt  }
0x46: {  	_ =	shalt  }
0x47: {  	_ =	shalt  }
0x48: {  	_ =	shalt  }
0x49: {  	_ =	shalt  }
0x4a: {  	_ =	shalt  }
0x4b: {  	_ =	shalt  }
0x4c: {  	_ =	shalt  }
0x4d: {  	_ =	shalt  }
0x4e: {  	_ =	shalt  }
0x4f: {  	_ =	shalt  }
0x50: {  	_ =	shalt  }
0x51: {  	_ =	shalt  }
0x52: {  	_ =	shalt  }
0x53: {  	_ =	shalt  }
0x54: {  	_ =	shalt  }
0x55: {  	_ =	shalt  }
0x56: {  	_ =	shalt  }
0x57: {  	_ =	shalt  }
0x58: {  	_ =	shalt  }
0x59: {  	_ =	shalt  }
0x5a: {  	_ =	shalt  }
0x5b: {  	_ =	shalt  }
0x5c: {  	_ =	shalt  }
0x5d: {  	_ =	shalt  }
0x5e: {  	_ =	shalt  }
0x5f: {  	_ =	shalt  }
0x60: {  	_ =	shalt  }
0x61: {  	_ =	shalt  }
0x62: {  	_ =	shalt  }
0x63: {  	_ =	shalt  }
0x64: {  	_ =	shalt  }
0x65: {  	_ =	shalt  }
0x66: {  	_ =	shalt  }
0x67: {  	_ =	shalt  }
0x68: {  	_ =	shalt  }
0x69: {  	_ =	shalt  }
0x6a: {  	_ =	shalt  }
0x6b: {  	_ =	shalt  }
0x6c: {  	_ =	shalt  }
0x6d: {  	_ =	shalt  }
0x6e: {  	_ =	shalt  }
0x6f: {  	_ =	shalt  }
0x70: {  	_ =	shalt  }
0x71: {  	_ =	shalt  }
0x72: {  	_ =	shalt  }
0x73: {  	_ =	shalt  }
0x74: {  	_ =	shalt  }
0x75: {  	_ =	shalt  }
0x76: {  	_ =	shalt  }
0x77: {  	_ =	shalt  }
0x78: {  	_ =	shalt  }
0x79: {  	_ =	shalt  }
0x7a: {  	_ =	shalt  }
0x7b: {  	_ =	shalt  }
0x7c: {  	_ =	shalt  }
0x7d: {  	_ =	shalt  }
0x7e: {  	_ =	shalt  }
0x7f: {  	_ =	shalt  }
0x80: {  	_ =	shalt  }
0x81: {  	_ =	shalt  }
0x82: {  	_ =	shalt  }
0x83: {  	_ =	shalt  }
0x84: {  	_ =	shalt  }
0x85: {  	_ =	shalt  }
0x86: {  	_ =	shalt  }
0x87: {  	_ =	shalt  }
.Lfunc_end0:
.L_simem_size_0:
called_computation_lowered:
.L_overlay_start_0:
0x88: {  	s2 =	sld [smem:$0x3FD9]  }
0x89: {  	s3 =	sld [smem:$0x3FFE];
	_ =	sdelay $0x1  }
0x8a: {  	s1 =	srdreg.scid  }
0x8b: {  	s0 =	sand.u32 $0x1, s1  }
0x8c: {  	s17 =	sshll.u32 s0, $0xA;
	s2 =	sadd.s32 s3, s2  }
0x8d: {  	s2 =	sadd.s32 s2, s17  }
0x8e: {  	[smem:$0x3FC6] =	sst s2  }
0x8f: {  	_ = 	snop  }
0x90: {  	s2 =	sld [smem:$0x3FC9]  }
0x91: {  	s18 =	sld [smem:$0x3FC8];
	(tm) =	ssettm $0x1  }
0x92: {  	s4 =	sld [smem:$0x3FFB];
	_ =	sdelay $0x3  }
0x93: {  	_ =	strace s4  }
0x94: {  	s4 =	sld [smem:$0x3FFC];
	_ =	sdelay $0x3  }
0x95: {  	_ =	strace s4  }
0x96: {  	s4 =	sld [smem:$0x3FFD];
	_ =	sdelay $0x3  }
0x97: {  	_ =	strace s4  }
0x98: {  	_ =	strace $0x8FFFFFFF  }
0x99: {  	s19 =	sld [smem:$0x3FDB];
	_ =	sdelay $0x1  }
0x9a: {  	s5 =	simm.s32 $_scs_section_size  }
0x9b: {  	s6 =	simm.s32 $_size__tile_overlayer_lowered;
	s7 =	simm.s32 $_tile_overlayer_lowered  }
0x9c: {  	s22 =	simm.s32 $0x1BFF;
	s21 =	sshll.u32 s7, $0x1;
	s4 =	sadd.s32 s5, s19  }
0x9d: {  	s8 =	simm.s32 $0x0;
	s20 =	sshll.u32 s6, $0x1;
	s6 =	sadd.s32 s21, s4  }
0x9e: {  	[timem:s8], [sflag:s22] =	dma.local [hbm:s6], s20  }
0x9f: {  	_ =	swait.ge [sflag:s22], s20  }
0xa0: {  	s5 =	ssub.s32 $0x0, s20;
	[sflag:s22] =	ssyncset.done $0x0  }
0xa1: {  	[sflag:s22] =	ssyncadd.s32 s5;
	_ =	sdelay $0x1  }
0xa2: {  	s23 =	simm.s32 $0x1B8B  }
0xa3: {  	_ =	swait.ge [sflag:s23], $0x1  }
0xa4: {  	[sflag:s23] =	ssyncset.done $0x0  }
0xa5: {  	s25 =	simm.s32 $0x1B8E;
	s24 =	sld [smem:$0x3FFE];
	[sflag:s23] =	ssyncadd.s32 $0xFFFFFFFF  }
0xa6: {  	s26 =	simm.s32 $execute0_lowered;
	[smem:$0x3FD2] =	sst s25  }
0xa7: {  	s6 =	sshll.u32 s26, $0x1;
	_ =	strace $0x80000046;
	[dreg:$0x1] =	wrdreg $0xFFFFFFFF  }
0xa8: {  	s28 =	simm.s32 $_size_execute0_lowered;
	s4 =	sadd.s32 s4, s6;
	[dreg:$0x0] =	wrdreg $0x0  }
0xa9: {  	s6 =	sshll.u32 s28, $0x1;
	[dreg:$0x2] =	wrdreg s4  }
0xaa: {  	[dreg:$0x3] =	wrdreg s6  }
0xab: {  	[dreg:$0x4] =	wrdreg $0xC0  }
0xac: {  	_ =	task [dreg:s8], $0x5FFFF  }
0xad: {  	[dreg:$0x1] =	wrdreg $0xFFFFFFFF  }
0xae: {  	[dreg:$0x0] =	wrdreg $0x60  }
0xaf: {  	[dreg:$0x2] =	wrdreg s2  }
0xb0: {  	[dreg:$0x3] =	wrdreg s18  }
0xb1: {  	[dreg:$0x4] =	wrdreg s24  }
0xb2: {  	[dreg:$0x5] =	wrdreg $0x9  }
0xb3: {  	_ =	task.clear_ibuf [dreg:s8], $0x6FFFF;
	_ =	strace $0x90000046  }
0xb4: {  	s29 =	simm.s32 $0x9;
	_ =	strace $0x80000048  }
0xb5: {  	_ =	swait.ge [sflag:s29], $0x1  }
0xb6: {  	[sflag:s29] =	ssyncadd.s32 $0xFFFFFFFF  }
0xb7: {  	_ =	strace $0x90000048  }
0xb8: {  	_ =	sfence  }
0xb9: {  	s30 =	sld [smem:$0x0];
	_ =	sdelay $0x2  }
0xba: {  	s31 =	sshll.u32 s1, $0xD;
	s1 =	sshrl.u32 s1, $0x2  }
0xbb: {  	s3 =	sand.u32 $0x4000, s31;
	s1 =	sadd.s32 s1, s30  }
0xbc: {  	s0 =	sor.u32 s3, s0;
	s1 =	sshll.u32 s1, $0x11  }
0xbd: {  	s0 =	sor.u32 s1, s0  }
0xbe: {  	s0 =	sadd.s32 $0x8F2B, s0  }
0xbf: {  	[sflag:s0] =	ssyncadd.remote.s32 $0x1  }
0xc0: {  	_ =	sfence.sel $0xFFFF  }
0xc1: {  	[dreg:$0x0] =	wrdreg $0xFFFFFFFF;
	(pc) =	sbr.abs _section_cstart, $3  }
0xc2: {  	[dreg:$0x1] =	wrdreg $0xFFFFFFFF  }
0xc3: {  	_ =	task.clear_ibuf [dreg:s8], $0x2FFFF;
	_ =	strace $0x9FFFFFFF  }
0xc4: {  	(tm) =	ssettm $0x7FFFFFFF  }
0xc5: {  	_ =	shalt  }
tec
execute0_lowered:
.L_overlay_start_1:
0x0: {  	(tag) =	ssettag $0x1  }
0x1: {  	s1 =	srdreg.scid  }
0x2: {  	s0 =	stileid.u32;
	s3 =	rddreg [dreg:$0x1]  }
0x3: {  	s2 =	simm.s32 $0x1;
	s10 =	rddreg [dreg:$0x2];
	s15 =	simm.s32 $0x3  }
0x4: {  	s16 =	simm.s32 $0x4000;
	s17 =	simm.s32 $0xC000;
	s18 =	simm.s32 $0x2  }
0x5: {  	s19 =	simm.s32 $0x4;
	s5 =	sand.u32 $0x1, s1;
	s26 =	sshll.u32 s0, $0x1  }
0x6: {  	s20 =	simm.s32 $0x10000;
	s21 =	simm.s32 $0x5;
	s8 =	sor.u32 s5, s26  }
0x7: {  	s22 =	simm.s32 $0x0;
	p1 =	seq.s32 s5, $0x1;
	p0 =	seq.s32 s8, $0x0  }
0x8: {  	s1 =	rddreg [dreg:$0x0];
	s28 =	ssub.s32 $0x2, s5;
	p0 =	por !p0, !p1  }
0x9: {  	s29 =	sshll.u32 s5, $0x14;
	s5 =	simm.s32 $0x1;
	p0 =	por !p0, !p0  }
0xa: {  	s12 =	sshrl.u32 s28, $0x1;
	s31 =	sshll.u32 s8, $0x4;
	s2 =	simm.s32 @!p0 $0x0  }
0xb: {  	s12 =	ssub.s32 s28, s12;
	s10 =	sadd.s32 s10, s31;
	s4 =	ssub.s32 s0, s2  }
0xc: {  	s2 =	rddreg [dreg:$0x3];
	s6 =	sshll.u32 s4, $0x14;
	s7 =	sshll.u32 s4, $0x7  }
0xd: {  	s4 =	simm.s32 $0x0;
	s9 =	sand.u32 $0xFF800000, s6;
	s11 =	sand.u32 $0x380, s7  }
0xe: {  	[smem:$0x7FF] =	sst s4;
	s30 =	sor.u32 s9, s11;
	s9 =	sor.u32 s9, s29  }
0xf: {  	_ =	strace $0x80000047;
	s13 =	sor.u32 s29, s30;
	s9 =	sor.u32 s11, s9  }
0x10: {  	s11 =	smax.u32 s12, $0x1;
	s12 =	simm.s32 $0x80;
	s14 =	sshrl.u32 s13, $0x3  }
0x11: {  	s8 =	sor.u32 $0x20000, s9;
	s9 =	sor.u32 $0x40000, s13;
	s13 =	simm.s32 $0x400  }
0x12: {  	v0 =	vimm.s32 $0x0;
	s6 =	sadd.s32 s1, s14;
	s7 =	sadd.s32 s3, s14;
	s14 =	simm.s32 $0x8000  }
.LBB2_1:
0x13: {  	[tilespmem:s4], [sflag:$0x1] =	stream.strided.gather [hbm4b:s6+s12], $0x4000, s13, s12, $0x38;
	[tilespmem:$0x10080] =	vst v63  }
0x14: {  	v1 =	vimm.s32 $0x0;
	v3 =	vimm.s32 $0x0;
	v2 =	vimm.s32 $0x0;
	s23 =	simm.s32 $0x0  }
0x15: {  	v5 =	vimm.s32 $0x0;
	v4 =	vimm.s32 $0x0;
	v6 =	vimm.s32 $0x0;
	[tilespmem:s14], [sflag:$0x3] =	stream.strided.gather [hbm4b:s7+s12], $0x4000, s13, s12, $0x38;
	[tilespmem:$0x10080] =	vst v63  }
.LBB2_2:
0x16: {  	_ =	swait.ge [sflag:s5], $0x4000  }
0x17: {  	[sflag:s5] =	ssyncset.done $0x0  }
0x18: {  	s24 =	sshll.u32 s23, $0x12;
	[sflag:s5] =	ssyncadd.s32 $0xFFFFC000  }
0x19: {  	s25 =	sor.u32 s24, s8;
	_ =	swait.ge [sflag:s15], $0x4000  }
0x1a: {  	s25 =	sshrl.u32 s25, $0x3;
	[sflag:s15] =	ssyncset.done $0x0  }
0x1b: {  	s26 =	sadd.s32 s1, s25;
	[sflag:s15] =	ssyncadd.s32 $0xFFFFC000  }
0x1c: {  	[tilespmem:s16], [sflag:$0x2] =	stream.strided.gather [hbm4b:s26+s12], $0x4000, s13, s12, $0x38;
	[tilespmem:$0x10080] =	vst v63  }
0x1d: {  	s31 =	simm.s32 $0x0;
	s25 =	sadd.s32 s3, s25  }
0x1e: {  	[tilespmem:s17], [sflag:$0x4] =	stream.strided.gather [hbm4b:s25+s12], $0x4000, s13, s12, $0x38;
	[tilespmem:$0x10080] =	vst v63  }
0x1f: {  	v11 =	vld [tilespmem:s31+$0xE0]  }
0x20: {  	v12 =	vld [tilespmem:s31+$0x80E0]  }
0x21: {  	v15 =	vld [tilespmem:s31+$0xF0]  }
0x22: {  	v16 =	vld [tilespmem:s31+$0x80F0]  }
0x23: {  	v19 =	vld [tilespmem:s31+$0xC0]  }
0x24: {  	v22 =	vld [tilespmem:s31+$0x80C0]  }
0x25: {  	v24 =	vld [tilespmem:s31+$0xD0]  }
0x26: {  	v25 =	vld [tilespmem:s31+$0x80D0]  }
0x27: {  	v29 =	vld [tilespmem:s31+$0xB0]  }
0x28: {  	v30 =	vld [tilespmem:s31+$0x80B0]  }
0x29: {  	v42 =	vld [tilespmem:s31+$0x70]  }
0x2a: {  	v43 =	vld [tilespmem:s31+$0x8070]  }
0x2b: {  	v45 =	vld [tilespmem:s31+$0x40]  }
0x2c: {  	v46 =	vld [tilespmem:s31+$0x8040]  }
0x2d: {  	v54 =	vld [tilespmem:s31+$0x30]  }
0x2e: {  	v55 =	vld [tilespmem:s31+$0x8030]  }
0x2f: {  	v44 =	vadd.f32 v12, v11  }
0x30: {  	vm0 =	vgt.f32 v11, $0.0e+00;
	v47 =	vadd.f32 v16, v15;
	v49 =	vadd.f32 v22, v19  }
0x31: {  	v27 =	vld [tilespmem:s31+$0xA0];
	vm1 =	vgt.f32 v12, $0.0e+00;
	v51 =	vadd.f32 v25, v24;
	v56 =	vadd.f32 v30, v29  }
0x32: {  	v28 =	vld [tilespmem:s31+$0x80A0];
	vm2 =	vgt.f32 v15, $0.0e+00;
	v58 =	vadd.f32 v43, v42;
	v59 =	vadd.f32 v46, v45  }
0x33: {  	v33 =	vld [tilespmem:s31+$0x80];
	v61 =	vadd.f32 v55, v54;
	v13 =	vsel vm0, $0x1, v0;
	vm0 =	vgt.f32 v16, $0.0e+00  }
0x34: {  	v34 =	vld [tilespmem:s31+$0x8080];
	v14 =	vsel vm1, $0x1, v0;
	vm1 =	vgt.f32 v19, $0.0e+00;
	v7 =	vsel vm2, $0x1, v0  }
0x35: {  	v35 =	vld [tilespmem:s31+$0x90];
	vm2 =	vgt.f32 v22, $0.0e+00;
	v8 =	vsel vm0, $0x1, v0;
	vm0 =	vgt.f32 v24, $0.0e+00  }
0x36: {  	v38 =	vld [tilespmem:s31+$0x8090];
	v17 =	vsel vm1, $0x1, v0;
	vm1 =	vgt.f32 v27, $0.0e+00;
	v18 =	vsel vm2, $0x1, v0  }
0x37: {  	v39 =	vld [tilespmem:s31+$0x60];
	vm2 =	vgt.f32 v28, $0.0e+00;
	v27 =	vadd.f32 v28, v27;
	v9 =	vsel vm0, $0x1, v0  }
0x38: {  	v41 =	vld [tilespmem:s31+$0x8060];
	vm0 =	vgt.f32 v25, $0.0e+00;
	v20 =	vsel vm1, $0x1, v0;
	vm1 =	vgt.f32 v29, $0.0e+00  }
0x39: {  	v21 =	vsel vm2, $0x1, v0;
	vm2 =	vgt.f32 v33, $0.0e+00;
	v33 =	vadd.f32 v34, v33  }
0x3a: {  	v10 =	vsel vm0, $0x1, v0;
	vm0 =	vgt.f32 v30, $0.0e+00;
	v23 =	vsel vm2, $0x1, v0  }
0x3b: {  	v48 =	vld [tilespmem:s31+$0x50];
	vm2 =	vgt.f32 v34, $0.0e+00;
	v11 =	vsel vm1, $0x1, v0;
	vm1 =	vgt.f32 v35, $0.0e+00  }
0x3c: {  	v50 =	vld [tilespmem:s31+$0x20];
	v12 =	vsel vm0, $0x1, v0;
	vm0 =	vgt.f32 v38, $0.0e+00;
	v26 =	vsel vm2, $0x1, v0  }
0x3d: {  	v52 =	vld [tilespmem:s31+$0x8050];
	vm2 =	vgt.f32 v39, $0.0e+00;
	v15 =	vsel vm1, $0x1, v0;
	vm1 =	vgt.f32 v41, $0.0e+00  }
0x3e: {  	v53 =	vld [tilespmem:s31+$0x8020];
	v38 =	vadd.f32 v38, v35;
	v39 =	vadd.f32 v41, v39;
	v16 =	vsel vm0, $0x1, v0  }
0x3f: {  	v57 =	vld [tilespmem:s31+$0x8000];
	vm0 =	vgt.f32 v42, $0.0e+00;
	v31 =	vsel vm2, $0x1, v0;
	vm2 =	vgt.f32 v43, $0.0e+00  }
0x40: {  	v63 =	vld [tilespmem:s31+$0x10];
	v32 =	vsel vm1, $0x1, v0;
	vm1 =	vgt.f32 v45, $0.0e+00;
	v19 =	vsel vm0, $0x1, v0  }
0x41: {  	v60 =	vld [tilespmem:s31+$0x8010];
	vm0 =	vgt.f32 v46, $0.0e+00;
	v36 =	vsel vm1, $0x1, v0;
	vm1 =	vgt.f32 v48, $0.0e+00  }
0x42: {  	v30 =	vld [tilespmem:s31+$0x0];
	v22 =	vsel vm2, $0x1, v0;
	vm2 =	vgt.f32 v52, $0.0e+00;
	v52 =	vadd.f32 v52, v48  }
0x43: {  	v37 =	vsel vm0, $0x1, v0;
	vm0 =	vgt.f32 v50, $0.0e+00;
	v24 =	vsel vm1, $0x1, v0  }
0x44: {  	vm1 =	vgt.f32 v54, $0.0e+00;
	v25 =	vsel vm2, $0x1, v0;
	vm2 =	vgt.f32 v55, $0.0e+00  }
0x45: {  	v50 =	vadd.f32 v53, v50;
	v40 =	vsel vm0, $0x1, v0;
	vm0 =	vgt.f32 v53, $0.0e+00  }
0x46: {  	v28 =	vsel vm1, $0x1, v0;
	vm1 =	vgt.f32 v57, $0.0e+00;
	v29 =	vsel vm2, $0x1, v0  }
0x47: {  	vm2 =	vgt.f32 v63, $0.0e+00;
	v62 =	vadd.f32 v57, v30;
	v63 =	vadd.f32 v60, v63  }
0x48: {  	v42 =	vsel vm0, $0x1, v0;
	vm0 =	vgt.f32 v30, $0.0e+00;
	v46 =	vsel vm1, $0x1, v0  }
0x49: {  	v34 =	vsel vm2, $0x1, v0;
	vm1 =	vgt.f32 v47, $0.0e+00;
	vm2 =	vgt.f32 v49, $0.0e+00  }
0x4a: {  	vm3 =	vgt.f32 v50, $0.0e+00;
	v45 =	vsel vm0, $0x1, v0;
	vm0 =	vgt.f32 v60, $0.0e+00  }
0x4b: {  	v43 =	vsel vm2, $0x1, v0;
	vm2 =	vgt.f32 v27, $0.0e+00;
	v27 =	vsel vm1, $0x1, v0  }
0x4c: {  	vm1 =	vgt.f32 v38, $0.0e+00;
	v35 =	vsel vm0, $0x1, v0;
	vm0 =	vgt.f32 v44, $0.0e+00  }
0x4d: {  	v47 =	vsel vm2, $0x1, v0;
	vm2 =	vgt.f32 v39, $0.0e+00;
	v38 =	vsel vm1, $0x1, v0  }
0x4e: {  	vm1 =	vgt.f32 v52, $0.0e+00;
	v41 =	vsel vm0, $0x1, v0;
	vm0 =	vgt.f32 v51, $0.0e+00  }
0x4f: {  	v49 =	vsel vm2, $0x1, v0;
	vm2 =	vgt.f32 v59, $0.0e+00;
	v51 =	vsel vm3, $0x1, v0  }
0x50: {  	v44 =	vsel vm1, $0x1, v0;
	v30 =	vsel vm0, $0x1, v0;
	vm0 =	vgt.f32 v33, $0.0e+00  }
0x51: {  	vm1 =	vgt.f32 v63, $0.0e+00;
	v48 =	vsel vm0, $0x1, v0;
	vm0 =	vgt.f32 v56, $0.0e+00  }
0x52: {  	v50 =	vsel vm2, $0x1, v0;
	v33 =	vsel vm0, $0x1, v0;
	vm0 =	vgt.f32 v58, $0.0e+00  }
0x53: {  	s25 =	simm.s32 $0x400;
	vm2 =	vgt.f32 v62, $0.0e+00;
	v39 =	vsel vm0, $0x1, v0;
	vm0 =	vgt.f32 v61, $0.0e+00  }
.LBB2_3:
0x54: {  	v52 =	vsel vm2, $0x1, v0;
	v53 =	vsel vm1, $0x1, v0;
	v54 =	vsel vm0, $0x1, v0  }
0x55: {  	v6 =	vadd.s32 v45, v6;
	v5 =	vadd.s32 v46, v5;
	v4 =	vadd.s32 v34, v4  }
0x56: {  	v2 =	vadd.s32 v35, v2;
	v3 =	vadd.s32 v52, v3;
	v6 =	vadd.s32 v40, v6  }
0x57: {  	v5 =	vadd.s32 v42, v5;
	v1 =	vadd.s32 v53, v1;
	v4 =	vadd.s32 v28, v4  }
0x58: {  	v2 =	vadd.s32 v29, v2;
	v3 =	vadd.s32 v51, v3;
	v6 =	vadd.s32 v36, v6  }
0x59: {  	v5 =	vadd.s32 v37, v5;
	v1 =	vadd.s32 v54, v1;
	v4 =	vadd.s32 v24, v4  }
0x5a: {  	s26 =	sshra.s32 s25, $0x2;
	v2 =	vadd.s32 v25, v2;
	v24 =	vimm.s32 $0x0;
	v25 =	vimm.s32 $0x0  }
0x5b: {  	v55 =	vld [tilespmem:s26+$0xE0];
	v3 =	vadd.s32 v50, v3;
	v6 =	vadd.s32 v31, v6;
	v5 =	vadd.s32 v32, v5  }
0x5c: {  	v63 =	vld [tilespmem:s26+$0x80E0];
	v1 =	vadd.s32 v44, v1;
	v4 =	vadd.s32 v19, v4;
	v2 =	vadd.s32 v22, v2  }
0x5d: {  	v3 =	vadd.s32 v49, v3;
	v6 =	vadd.s32 v23, v6;
	v5 =	vadd.s32 v26, v5  }
0x5e: {  	v51 =	vld [tilespmem:s26+$0xF0];
	v1 =	vadd.s32 v39, v1;
	v4 =	vadd.s32 v15, v4;
	v2 =	vadd.s32 v16, v2  }
0x5f: {  	v26 =	vimm.s32 $0x0;
	v3 =	vadd.s32 v48, v3;
	v6 =	vadd.s32 v20, v6  }
0x60: {  	v52 =	vld [tilespmem:s26+$0x80F0];
	v5 =	vadd.s32 v21, v5;
	v1 =	vadd.s32 v38, v1;
	vm0 =	vgt.f32 v55, $0.0e+00  }
0x61: {  	v31 =	vld [tilespmem:s26+$0xC0];
	v4 =	vadd.s32 v11, v4;
	v24 =	vsel vm0, $0xFFFFFFFF, v24;
	vm0 =	vgt.f32 v63, $0.0e+00  }
0x62: {  	v19 =	vld [tilespmem:s26+$0x80];
	v2 =	vadd.s32 v12, v2;
	v6 =	vadd.s32 v17, v6;
	v25 =	vsel vm0, $0xFFFFFFFF, v25  }
0x63: {  	v23 =	vld [tilespmem:s26+$0x80C0];
	v5 =	vadd.s32 v18, v5;
	vm0 =	vgt.f32 v51, $0.0e+00;
	[tilespmem:$0x1FF00] =	vst v25;
	v25 =	vimm.s32 $0x0  }
0x64: {  	v20 =	vld [tilespmem:s26+$0xD0];
	v1 =	vadd.s32 v33, v1;
	v4 =	vadd.s32 v9, v4;
	v25 =	vsel vm0, $0xFFFFFFFF, v25  }
0x65: {  	v6 =	vadd.s32 v13, v6;
	v13 =	vld [tilespmem:s26+$0xA0];
	vm0 =	vgt.f32 v52, $0.0e+00;
	[tilespmem:$0x1FF10] =	vst v25;
	v25 =	vimm.s32 $0x0  }
0x66: {  	v5 =	vadd.s32 v14, v5;
	v14 =	vld [tilespmem:s26+$0x80A0];
	v25 =	vsel vm0, $0xFFFFFFFF, v25;
	vm0 =	vgt.f32 v31, $0.0e+00  }
0x67: {  	v2 =	vadd.s32 v10, v2;
	v4 =	vadd.s32 v7, v4;
	v7 =	vld [tilespmem:s26+$0x60];
	v26 =	vsel vm0, $0xFFFFFFFF, v26  }
0x68: {  	v2 =	vadd.s32 v8, v2;
	v8 =	vld [tilespmem:s26+$0x8060];
	vm0 =	vgt.f32 v23, $0.0e+00;
	[tilespmem:$0x1FF30] =	vst v26;
	v26 =	vimm.s32 $0x0  }
0x69: {  	v15 =	vld [tilespmem:s26+$0x8080];
	v3 =	vadd.s32 v47, v3;
	v1 =	vadd.s32 v30, v1;
	v26 =	vsel vm0, $0xFFFFFFFF, v26  }
0x6a: {  	v17 =	vld [tilespmem:s26+$0x80D0];
	v1 =	vadd.s32 v27, v1;
	vm0 =	vgt.f32 v20, $0.0e+00;
	[tilespmem:$0x1FF40] =	vst v26;
	v26 =	vimm.s32 $0x0  }
0x6b: {  	v18 =	vld [tilespmem:s26+$0xB0];
	v27 =	vimm.s32 $0x0;
	v26 =	vsel vm0, $0xFFFFFFFF, v26;
	vm0 =	vgt.f32 v13, $0.0e+00  }
0x6c: {  	v21 =	vld [tilespmem:s26+$0x80B0];
	v3 =	vadd.s32 v43, v3;
	[tilespmem:$0x1FEF0] =	vst v24;
	vm15 =	vgt.f32 v7, $0.0e+00;
	v27 =	vsel vm0, $0xFFFFFFFF, v27  }
0x6d: {  	v57 =	vadd.f32 v8, v7;
	v7 =	vld [tilespmem:$0x1FEF0];
	vm0 =	vgt.f32 v14, $0.0e+00;
	[tilespmem:$0x1FF60] =	vst v27;
	v27 =	vimm.s32 $0x0  }
0x6e: {  	v11 =	vld [tilespmem:s26+$0x90];
	v3 =	vadd.s32 v41, v3;
	v27 =	vsel vm0, $0xFFFFFFFF, v27  }
0x6f: {  	v41 =	vadd.f32 v14, v13;
	v13 =	vld [tilespmem:s26+$0x10];
	vm0 =	vgt.f32 v17, $0.0e+00;
	[tilespmem:$0x1FF70] =	vst v27;
	v27 =	vimm.s32 $0x0  }
0x70: {  	v28 =	vimm.s32 $0x0;
	v14 =	vld [tilespmem:s26+$0x8010];
	v27 =	vsel vm0, $0xFFFFFFFF, v27;
	vm0 =	vgt.f32 v18, $0.0e+00  }
0x71: {  	v56 =	vimm.s32 $0x0;
	v29 =	vimm.s32 $0x0;
	v9 =	vld [tilespmem:s26+$0x8090];
	v28 =	vsel vm0, $0xFFFFFFFF, v28  }
0x72: {  	vm13 =	vnez.u8 v7;
	v7 =	vld [tilespmem:$0x1FF00];
	vm0 =	vgt.f32 v21, $0.0e+00;
	[tilespmem:$0x1FFA0] =	vst v28;
	v28 =	vimm.s32 $0x0  }
0x73: {  	v30 =	vadd.f32 v63, v55;
	v28 =	vsel vm0, $0xFFFFFFFF, v28;
	vm0 =	vgt.f32 v19, $0.0e+00  }
0x74: {  	v55 =	vimm.s32 $0x0;
	vm1 =	vgt.f32 v13, $0.0e+00;
	v29 =	vsel vm0, $0xFFFFFFFF, v29  }
0x75: {  	v63 =	vadd.f32 v14, v13;
	vm0 =	vgt.f32 v15, $0.0e+00;
	[tilespmem:$0x1FF90] =	vst v29;
	v29 =	vimm.s32 $0x0  }
0x76: {  	v13 =	vsel vm13, $0x1, v0;
	v29 =	vsel vm0, $0xFFFFFFFF, v29;
	vm0 =	vgt.f32 v11, $0.0e+00  }
0x77: {  	[tilespmem:$0x1FF20] =	vst v25;
	vm13 =	vnez.u8 v7;
	v7 =	vld [tilespmem:$0x1FF10];
	v32 =	vsel vm0, $0xFFFFFFFF, v55;
	vm0 =	vgt.f32 v9, $0.0e+00  }
0x78: {  	[tilespmem:$0x1FFD0] =	vst v32;
	v32 =	vsel vm0, $0xFFFFFFFF, v56;
	vm0 =	vgt.f32 v8, $0.0e+00;
	v8 =	vld [tilespmem:$0x1FF20]  }
0x79: {  	v47 =	vadd.f32 v9, v11;
	v9 =	vld [tilespmem:$0x1FF30]  }
0x7a: {  	v38 =	vadd.f32 v23, v31;
	v31 =	vimm.s32 $0x0  }
0x7b: {  	v12 =	vld [tilespmem:s26+$0x8070];
	v31 =	vsel vm0, $0xFFFFFFFF, v31  }
0x7c: {  	v23 =	vld [tilespmem:s26+$0x0];
	vm0 =	vgt.f32 v14, $0.0e+00;
	v14 =	vsel vm13, $0x1, v0;
	vm13 =	vnez.u8 v7  }
0x7d: {  	v39 =	vadd.f32 v17, v20;
	v17 =	vld [tilespmem:s26+$0x8000];
	v7 =	vsel vm13, $0x1, v0;
	vm13 =	vnez.u8 v8  }
0x7e: {  	v8 =	vsel vm13, $0x1, v0;
	vm13 =	vnez.u8 v9;
	v9 =	vld [tilespmem:$0x1FF40]  }
0x7f: {  	v10 =	vld [tilespmem:s26+$0x70];
	_ =	sdelay $0x2  }
0x80: {  	[tilespmem:$0x1FF50] =	vst v26;
	vm4 =	vgt.f32 v17, $0.0e+00  }
0x81: {  	v62 =	vadd.f32 v17, v23;
	v17 =	vsel vm13, $0x1, v0;
	vm13 =	vnez.u8 v9;
	v9 =	vld [tilespmem:$0x1FF50]  }
0x82: {  	vm12 =	vgt.f32 v10, $0.0e+00;
	v58 =	vadd.f32 v12, v10;
	v10 =	vld [tilespmem:$0x1FF60]  }
0x83: {  	v22 =	vld [tilespmem:s26+$0x8040]  }
0x84: {  	v16 =	vld [tilespmem:s26+$0x40];
	_ =	sdelay $0x1  }
0x85: {  	v24 =	vld [tilespmem:s26+$0x50];
	v43 =	vadd.f32 v21, v18;
	v18 =	vsel vm13, $0x1, v0;
	vm13 =	vnez.u8 v9  }
0x86: {  	v9 =	vsel vm13, $0x1, v0;
	vm13 =	vnez.u8 v10;
	v10 =	vld [tilespmem:$0x1FF70]  }
0x87: {  	v33 =	vadd.f32 v52, v51;
	v25 =	vld [tilespmem:s26+$0x8050]  }
0x88: {  	vm9 =	vgt.f32 v22, $0.0e+00;
	vm8 =	vgt.f32 v16, $0.0e+00;
	v44 =	vadd.f32 v15, v19  }
0x89: {  	v59 =	vadd.f32 v22, v16;
	v37 =	vsel vm9, $0x1, v0;
	vm14 =	vgt.f32 v12, $0.0e+00  }
0x8a: {  	v36 =	vsel vm8, $0x1, v0;
	v22 =	vsel vm14, $0x1, v0;
	vm8 =	vgt.f32 v44, $0.0e+00;
	v26 =	vld [tilespmem:s26+$0x20];
	[tilespmem:$0x1FF80] =	vst v27  }
0x8b: {  	v48 =	vsel vm8, $0x1, v0;
	v20 =	vsel vm13, $0x1, v0;
	vm13 =	vnez.u8 v10;
	v10 =	vld [tilespmem:$0x1FF80]  }
0x8c: {  	vm10 =	vgt.f32 v24, $0.0e+00;
	vm9 =	vgt.f32 v47, $0.0e+00;
	vm11 =	vgt.f32 v25, $0.0e+00;
	v11 =	vld [tilespmem:$0x1FF90]  }
0x8d: {  	vm3 =	vgt.f32 v23, $0.0e+00;
	v60 =	vadd.f32 v25, v24;
	v24 =	vsel vm10, $0x1, v0  }
0x8e: {  	vm10 =	vgt.f32 v43, $0.0e+00;
	v25 =	vsel vm11, $0x1, v0;
	vm11 =	vgt.f32 v59, $0.0e+00;
	v27 =	vld [tilespmem:s26+$0x8020]  }
0x8f: {  	v45 =	vsel vm3, $0x1, v0;
	vm3 =	vgt.f32 v30, $0.0e+00;
	v50 =	vsel vm11, $0x1, v0  }
0x90: {  	vm2 =	vgt.f32 v26, $0.0e+00;
	[tilespmem:$0x1FFB0] =	vst v28;
	v28 =	vld [tilespmem:s26+$0x30];
	v21 =	vsel vm13, $0x1, v0;
	vm13 =	vnez.u8 v10  }
0x91: {  	v34 =	vsel vm1, $0x1, v0;
	v10 =	vsel vm13, $0x1, v0;
	vm13 =	vnez.u8 v11;
	v11 =	vld [tilespmem:$0x1FFA0]  }
0x92: {  	v40 =	vsel vm2, $0x1, v0;
	vm1 =	vgt.f32 v63, $0.0e+00;
	v46 =	vsel vm4, $0x1, v0;
	v12 =	vld [tilespmem:$0x1FFB0];
	[tilespmem:$0x1FFC0] =	vst v29  }
0x93: {  	vm4 =	vgt.f32 v33, $0.0e+00;
	vm7 =	vgt.f32 v27, $0.0e+00;
	v27 =	vadd.f32 v27, v26;
	v15 =	vld [tilespmem:$0x1FFC0]  }
0x94: {  	v33 =	vsel vm10, $0x1, v0;
	v42 =	vsel vm7, $0x1, v0;
	vm7 =	vgt.f32 v39, $0.0e+00  }
0x95: {  	vm2 =	vgt.f32 v62, $0.0e+00;
	v29 =	vld [tilespmem:s26+$0x8030];
	vm14 =	vgt.f32 v27, $0.0e+00;
	v30 =	vsel vm7, $0x1, v0  }
0x96: {  	v27 =	vsel vm4, $0x1, v0;
	v23 =	vsel vm13, $0x1, v0;
	vm13 =	vnez.u8 v11  }
0x97: {  	vm6 =	vgt.f32 v28, $0.0e+00;
	v11 =	vsel vm13, $0x1, v0;
	vm13 =	vnez.u8 v12  }
0x98: {  	[tilespmem:$0x1FFE0] =	vst v32;
	v51 =	vsel vm14, $0x1, v0;
	v12 =	vsel vm13, $0x1, v0;
	vm13 =	vnez.u8 v15;
	v15 =	vld [tilespmem:$0x1FFD0]  }
0x99: {  	[tilespmem:$0x1FFF0] =	vst v31;
	v16 =	vld [tilespmem:$0x1FFE0];
	v31 =	vsel vm15, $0x1, v0;
	v35 =	vsel vm0, $0x1, v0;
	vm15 =	vgt.f32 v60, $0.0e+00  }
0x9a: {  	v19 =	vld [tilespmem:$0x1FFF0];
	v44 =	vsel vm15, $0x1, v0;
	vm5 =	vgt.f32 v29, $0.0e+00;
	v61 =	vadd.f32 v29, v28  }
0x9b: {  	v28 =	vsel vm6, $0x1, v0;
	vm6 =	vgt.f32 v38, $0.0e+00;
	v38 =	vsel vm9, $0x1, v0  }
0x9c: {  	p0 =	sne.s32 s25, $0xFC00;
	v29 =	vsel vm5, $0x1, v0;
	vm5 =	vgt.f32 v41, $0.0e+00;
	v41 =	vsel vm3, $0x1, v0  }
.Ltmp0:
0x9d: {  	v43 =	vsel vm6, $0x1, v0;
	v26 =	vsel vm13, $0x1, v0;
	vm13 =	vnez.u8 v15;
	(pc) =	sbr.rel @p0 .LBB2_3-.Ltmp0, $4  }
0x9e: {  	vm0 =	vgt.f32 v61, $0.0e+00;
	v15 =	vsel vm13, $0x1, v0;
	vm13 =	vnez.u8 v16  }
0x9f: {  	v16 =	vsel vm13, $0x1, v0;
	vm13 =	vnez.u8 v19;
	v19 =	vsel vm12, $0x1, v0  }
0xa0: {  	vm12 =	vgt.f32 v57, $0.0e+00;
	v32 =	vsel vm13, $0x1, v0;
	vm13 =	vgt.f32 v58, $0.0e+00  }
0xa1: {  	s25 =	sadd.s32 $0x400, s25;
	v47 =	vsel vm5, $0x1, v0;
	v49 =	vsel vm12, $0x1, v0;
	v39 =	vsel vm13, $0x1, v0  }
0xa2: {  	_ =	swait.ge [sflag:s18], $0x4000  }
0xa3: {  	[sflag:s18] =	ssyncset.done $0x0  }
0xa4: {  	p0 =	seq.s32 s23, $0x3;
	[sflag:s18] =	ssyncadd.s32 $0xFFFFC000  }
0xa5: {  	s24 =	sadd.s32 @!p0 s24, s9;
	s26 =	simm.s32 @!p0 $0x80;
	_ =	swait.ge [sflag:s19], $0x4000  }
0xa6: {  	v52 =	vsel vm2, $0x1, v0;
	v6 =	vadd.s32 v45, v6;
	s28 =	simm.s32 @!p0 $0x400;
	s24 =	sshrl.u32 @!p0 s24, $0x3;
	[sflag:s19] =	ssyncset.done $0x0  }
0xa7: {  	v5 =	vadd.s32 v46, v5;
	s29 =	simm.s32 @!p0 $0x0;
	v3 =	vadd.s32 v52, v3;
	v6 =	vadd.s32 v40, v6;
	s25 =	sadd.s32 @!p0 s1, s24;
	[sflag:s19] =	ssyncadd.s32 $0xFFFFC000  }
0xa8: {  	v5 =	vadd.s32 v42, v5;
	v3 =	vadd.s32 v51, v3;
	v6 =	vadd.s32 v36, v6;
	[tilespmem:s29], [sflag:$0x1] =	stream.strided.gather @!p0 [hbm4b:s25+s26], $0x4000, s28, s26, $0x38;
	[tilespmem:$0x10080] =	vst v63  }
0xa9: {  	s31 =	simm.s32 $0x0;
	v5 =	vadd.s32 v37, v5;
	s24 =	sadd.s32 @!p0 s3, s24;
	v3 =	vadd.s32 v50, v3;
	v6 =	vadd.s32 v31, v6;
	s25 =	simm.s32 @!p0 $0x8000  }
0xaa: {  	v5 =	vadd.s32 v32, v5;
	v3 =	vadd.s32 v49, v3;
	v6 =	vadd.s32 v23, v6;
	[tilespmem:s25], [sflag:$0x3] =	stream.strided.gather @!p0 [hbm4b:s24+s26], $0x4000, s28, s26, $0x38;
	[tilespmem:$0x10080] =	vst v63  }
0xab: {  	v5 =	vadd.s32 v26, v5;
	v3 =	vadd.s32 v48, v3;
	v6 =	vadd.s32 v20, v6;
	v23 =	vld [tilespmem:s31+$0x40E0]  }
0xac: {  	v5 =	vadd.s32 v21, v5;
	v3 =	vadd.s32 v47, v3;
	v6 =	vadd.s32 v17, v6;
	v21 =	vld [tilespmem:s31+$0xC0E0]  }
0xad: {  	v17 =	vadd.s32 v43, v3;
	v3 =	vadd.s32 v13, v6;
	v13 =	vld [tilespmem:s31+$0x40F0]  }
0xae: {  	v53 =	vsel vm1, $0x1, v0;
	v54 =	vsel vm0, $0x1, v0;
	v4 =	vadd.s32 v34, v4;
	v26 =	vld [tilespmem:s31+$0xC0F0]  }
0xaf: {  	v2 =	vadd.s32 v35, v2;
	v1 =	vadd.s32 v53, v1;
	v4 =	vadd.s32 v28, v4;
	v28 =	vld [tilespmem:s31+$0x40C0]  }
0xb0: {  	v2 =	vadd.s32 v29, v2;
	v1 =	vadd.s32 v54, v1;
	v4 =	vadd.s32 v24, v4;
	v24 =	vld [tilespmem:s31+$0xC0C0]  }
0xb1: {  	v2 =	vadd.s32 v25, v2;
	v1 =	vadd.s32 v44, v1;
	v25 =	vld [tilespmem:s31+$0x40D0]  }
0xb2: {  	v4 =	vadd.s32 v19, v4;
	v2 =	vadd.s32 v22, v2;
	v1 =	vadd.s32 v39, v1;
	v22 =	vld [tilespmem:s31+$0xC0D0]  }
0xb3: {  	v4 =	vadd.s32 v15, v4;
	v1 =	vadd.s32 v38, v1;
	v29 =	vld [tilespmem:s31+$0x40A0]  }
0xb4: {  	v4 =	vadd.s32 v11, v4;
	v1 =	vadd.s32 v33, v1;
	v31 =	vld [tilespmem:s31+$0xC0A0]  }
0xb5: {  	v4 =	vadd.s32 v9, v4;
	v9 =	vadd.s32 v30, v1;
	v30 =	vld [tilespmem:s31+$0x40B0]  }
0xb6: {  	v1 =	vadd.s32 v7, v4;
	v4 =	vadd.s32 v27, v9;
	v27 =	vld [tilespmem:s31+$0xC0B0]  }
0xb7: {  	v32 =	vld [tilespmem:s31+$0x4080]  }
0xb8: {  	v34 =	vld [tilespmem:s31+$0xC080]  }
0xb9: {  	v36 =	vld [tilespmem:s31+$0x4090]  }
0xba: {  	v2 =	vadd.s32 v16, v2;
	v63 =	vld [tilespmem:s31+$0xC090]  }
0xbb: {  	v2 =	vadd.s32 v12, v2;
	v5 =	vadd.s32 v18, v5;
	v46 =	vld [tilespmem:s31+$0x4050]  }
0xbc: {  	v2 =	vadd.s32 v10, v2;
	v5 =	vadd.s32 v14, v5;
	v60 =	vld [tilespmem:s31+$0xC050]  }
0xbd: {  	v2 =	vadd.s32 v8, v2;
	v6 =	vadd.s32 v41, v17;
	v43 =	vadd.f32 v21, v23  }
0xbe: {  	vm0 =	vgt.f32 v23, $0.0e+00;
	v47 =	vadd.f32 v26, v13;
	v48 =	vadd.f32 v24, v28  }
0xbf: {  	vm1 =	vgt.f32 v21, $0.0e+00;
	v50 =	vadd.f32 v22, v25;
	v53 =	vadd.f32 v31, v29  }
0xc0: {  	vm2 =	vgt.f32 v13, $0.0e+00;
	v56 =	vadd.f32 v27, v30;
	v58 =	vadd.f32 v34, v32  }
0xc1: {  	v37 =	vadd.f32 v63, v36;
	v59 =	vadd.f32 v60, v46;
	v12 =	vsel vm0, $0x1, v0  }
0xc2: {  	vm0 =	vgt.f32 v26, $0.0e+00;
	v14 =	vsel vm1, $0x1, v0;
	vm1 =	vgt.f32 v28, $0.0e+00  }
0xc3: {  	v7 =	vsel vm2, $0x1, v0;
	vm2 =	vgt.f32 v24, $0.0e+00;
	v8 =	vsel vm0, $0x1, v0  }
0xc4: {  	v39 =	vld [tilespmem:s31+$0x4060];
	vm0 =	vgt.f32 v25, $0.0e+00;
	v17 =	vsel vm1, $0x1, v0;
	vm1 =	vgt.f32 v29, $0.0e+00  }
0xc5: {  	v40 =	vld [tilespmem:s31+$0xC060];
	v18 =	vsel vm2, $0x1, v0;
	vm2 =	vgt.f32 v31, $0.0e+00;
	v9 =	vsel vm0, $0x1, v0  }
0xc6: {  	v41 =	vld [tilespmem:s31+$0x4070];
	vm0 =	vgt.f32 v22, $0.0e+00;
	v19 =	vsel vm1, $0x1, v0;
	vm1 =	vgt.f32 v30, $0.0e+00  }
0xc7: {  	v42 =	vld [tilespmem:s31+$0xC070];
	v20 =	vsel vm2, $0x1, v0;
	vm2 =	vgt.f32 v32, $0.0e+00;
	v10 =	vsel vm0, $0x1, v0  }
0xc8: {  	v44 =	vld [tilespmem:s31+$0x4040];
	vm0 =	vgt.f32 v27, $0.0e+00;
	v23 =	vsel vm2, $0x1, v0;
	vm2 =	vgt.f32 v34, $0.0e+00  }
0xc9: {  	v45 =	vld [tilespmem:s31+$0xC040];
	v11 =	vsel vm1, $0x1, v0;
	vm1 =	vgt.f32 v36, $0.0e+00;
	v13 =	vsel vm0, $0x1, v0  }
0xca: {  	v49 =	vld [tilespmem:s31+$0x4020];
	vm0 =	vgt.f32 v63, $0.0e+00;
	v24 =	vsel vm2, $0x1, v0;
	vm2 =	vgt.f32 v39, $0.0e+00  }
0xcb: {  	v61 =	vld [tilespmem:s31+$0xC020];
	v15 =	vsel vm1, $0x1, v0;
	vm1 =	vgt.f32 v40, $0.0e+00;
	v39 =	vadd.f32 v40, v39  }
0xcc: {  	v62 =	vld [tilespmem:s31+$0x4030];
	v40 =	vadd.f32 v42, v41;
	v16 =	vsel vm0, $0x1, v0;
	vm0 =	vgt.f32 v41, $0.0e+00  }
0xcd: {  	v55 =	vld [tilespmem:s31+$0xC030];
	v28 =	vsel vm2, $0x1, v0;
	vm2 =	vgt.f32 v42, $0.0e+00;
	v31 =	vsel vm1, $0x1, v0  }
0xce: {  	v57 =	vld [tilespmem:s31+$0xC000];
	vm1 =	vgt.f32 v44, $0.0e+00;
	v44 =	vadd.f32 v45, v44;
	v21 =	vsel vm0, $0x1, v0  }
0xcf: {  	v32 =	vld [tilespmem:s31+$0x4010];
	vm0 =	vgt.f32 v45, $0.0e+00;
	v33 =	vsel vm1, $0x1, v0;
	vm1 =	vgt.f32 v46, $0.0e+00  }
0xd0: {  	v30 =	vld [tilespmem:s31+$0x4000];
	v22 =	vsel vm2, $0x1, v0;
	vm2 =	vgt.f32 v60, $0.0e+00;
	v60 =	vadd.f32 v61, v49  }
0xd1: {  	v35 =	vsel vm0, $0x1, v0;
	vm0 =	vgt.f32 v49, $0.0e+00;
	v25 =	vsel vm1, $0x1, v0  }
0xd2: {  	vm1 =	vgt.f32 v62, $0.0e+00;
	v26 =	vsel vm2, $0x1, v0;
	vm2 =	vgt.f32 v55, $0.0e+00  }
0xd3: {  	v38 =	vsel vm0, $0x1, v0;
	vm0 =	vgt.f32 v61, $0.0e+00;
	v27 =	vsel vm1, $0x1, v0  }
0xd4: {  	v63 =	vld [tilespmem:s31+$0xC010];
	vm1 =	vgt.f32 v57, $0.0e+00;
	v29 =	vsel vm2, $0x1, v0;
	vm2 =	vgt.f32 v32, $0.0e+00  }
0xd5: {  	v61 =	vadd.f32 v55, v62;
	v62 =	vadd.f32 v57, v30;
	vm3 =	vgt.f32 v60, $0.0e+00  }
0xd6: {  	v41 =	vsel vm0, $0x1, v0;
	vm0 =	vgt.f32 v30, $0.0e+00;
	v46 =	vsel vm1, $0x1, v0  }
0xd7: {  	v34 =	vsel vm2, $0x1, v0;
	vm1 =	vgt.f32 v47, $0.0e+00;
	vm2 =	vgt.f32 v48, $0.0e+00  }
0xd8: {  	v51 =	vsel vm3, $0x1, v0;
	vm3 =	vgt.f32 v59, $0.0e+00;
	v45 =	vsel vm0, $0x1, v0  }
0xd9: {  	vm0 =	vgt.f32 v63, $0.0e+00;
	v63 =	vadd.f32 v63, v32;
	v30 =	vsel vm1, $0x1, v0  }
0xda: {  	vm1 =	vgt.f32 v37, $0.0e+00;
	v36 =	vsel vm0, $0x1, v0;
	vm0 =	vgt.f32 v43, $0.0e+00  }
0xdb: {  	v43 =	vsel vm2, $0x1, v0;
	vm2 =	vgt.f32 v53, $0.0e+00;
	v42 =	vsel vm0, $0x1, v0  }
0xdc: {  	vm0 =	vgt.f32 v50, $0.0e+00;
	v47 =	vsel vm2, $0x1, v0;
	vm2 =	vgt.f32 v39, $0.0e+00  }
0xdd: {  	v39 =	vsel vm1, $0x1, v0;
	vm1 =	vgt.f32 v62, $0.0e+00;
	v32 =	vsel vm0, $0x1, v0  }
0xde: {  	vm0 =	vgt.f32 v58, $0.0e+00;
	v49 =	vsel vm2, $0x1, v0;
	vm2 =	vgt.f32 v44, $0.0e+00  }
0xdf: {  	v44 =	vsel vm3, $0x1, v0;
	v48 =	vsel vm0, $0x1, v0;
	vm0 =	vgt.f32 v56, $0.0e+00  }
0xe0: {  	v50 =	vsel vm2, $0x1, v0;
	v37 =	vsel vm0, $0x1, v0;
	vm0 =	vgt.f32 v40, $0.0e+00  }
0xe1: {  	s24 =	simm.s32 $0x400;
	vm2 =	vgt.f32 v63, $0.0e+00;
	v40 =	vsel vm0, $0x1, v0;
	vm0 =	vgt.f32 v61, $0.0e+00  }
.LBB2_5:
0xe2: {  	v52 =	vsel vm1, $0x1, v0;
	v53 =	vsel vm2, $0x1, v0;
	v54 =	vsel vm0, $0x1, v0  }
0xe3: {  	v3 =	vadd.s32 v45, v3;
	v5 =	vadd.s32 v46, v5;
	v1 =	vadd.s32 v34, v1  }
0xe4: {  	v2 =	vadd.s32 v36, v2;
	v56 =	vimm.s32 $0x0;
	v6 =	vadd.s32 v52, v6  }
0xe5: {  	v3 =	vadd.s32 v38, v3;
	v5 =	vadd.s32 v41, v5;
	v4 =	vadd.s32 v53, v4  }
0xe6: {  	v1 =	vadd.s32 v27, v1;
	v2 =	vadd.s32 v29, v2;
	v27 =	vimm.s32 $0x0  }
0xe7: {  	s25 =	sshra.s32 s24, $0x2;
	v6 =	vadd.s32 v51, v6;
	v3 =	vadd.s32 v33, v3;
	v5 =	vadd.s32 v35, v5  }
0xe8: {  	v55 =	vld [tilespmem:s25+$0x40E0];
	v4 =	vadd.s32 v54, v4;
	v1 =	vadd.s32 v25, v1;
	v2 =	vadd.s32 v26, v2  }
0xe9: {  	v63 =	vld [tilespmem:s25+$0xC0E0];
	v25 =	vimm.s32 $0x0;
	v26 =	vimm.s32 $0x0;
	v6 =	vadd.s32 v50, v6  }
0xea: {  	v3 =	vadd.s32 v28, v3;
	v5 =	vadd.s32 v31, v5;
	v4 =	vadd.s32 v44, v4  }
0xeb: {  	v51 =	vld [tilespmem:s25+$0x40F0];
	v1 =	vadd.s32 v21, v1;
	v2 =	vadd.s32 v22, v2;
	v3 =	vadd.s32 v23, v3  }
0xec: {  	v5 =	vadd.s32 v24, v5;
	v1 =	vadd.s32 v15, v1;
	v2 =	vadd.s32 v16, v2  }
0xed: {  	v52 =	vld [tilespmem:s25+$0xC0F0];
	v24 =	vimm.s32 $0x0;
	v3 =	vadd.s32 v19, v3;
	vm0 =	vgt.f32 v55, $0.0e+00  }
0xee: {  	v28 =	vld [tilespmem:s25+$0x40C0];
	v5 =	vadd.s32 v20, v5;
	v24 =	vsel vm0, $0xFFFFFFFF, v24;
	vm0 =	vgt.f32 v63, $0.0e+00  }
0xef: {  	v21 =	vld [tilespmem:s25+$0x4080];
	v1 =	vadd.s32 v11, v1;
	v2 =	vadd.s32 v13, v2;
	v25 =	vsel vm0, $0xFFFFFFFF, v25  }
0xf0: {  	v23 =	vld [tilespmem:s25+$0xC0C0];
	v3 =	vadd.s32 v17, v3;
	vm0 =	vgt.f32 v51, $0.0e+00;
	[tilespmem:$0x1FDF0] =	vst v25;
	v25 =	vimm.s32 $0x0  }
0xf1: {  	v19 =	vld [tilespmem:s25+$0x40D0];
	v5 =	vadd.s32 v18, v5;
	v1 =	vadd.s32 v9, v1;
	v25 =	vsel vm0, $0xFFFFFFFF, v25  }
0xf2: {  	v3 =	vadd.s32 v12, v3;
	v12 =	vld [tilespmem:s25+$0x40A0];
	vm0 =	vgt.f32 v52, $0.0e+00;
	[tilespmem:$0x1FE00] =	vst v25;
	v25 =	vimm.s32 $0x0  }
0xf3: {  	v5 =	vadd.s32 v14, v5;
	v14 =	vld [tilespmem:s25+$0xC0A0];
	v25 =	vsel vm0, $0xFFFFFFFF, v25;
	vm0 =	vgt.f32 v28, $0.0e+00  }
0xf4: {  	v2 =	vadd.s32 v10, v2;
	v1 =	vadd.s32 v7, v1;
	v7 =	vld [tilespmem:s25+$0x4060];
	v26 =	vsel vm0, $0xFFFFFFFF, v26  }
0xf5: {  	v2 =	vadd.s32 v8, v2;
	v8 =	vld [tilespmem:s25+$0xC060];
	vm0 =	vgt.f32 v23, $0.0e+00;
	[tilespmem:$0x1FE20] =	vst v26;
	v26 =	vimm.s32 $0x0  }
0xf6: {  	v6 =	vadd.s32 v49, v6;
	v4 =	vadd.s32 v40, v4;
	v15 =	vld [tilespmem:s25+$0xC080];
	v26 =	vsel vm0, $0xFFFFFFFF, v26  }
0xf7: {  	v6 =	vadd.s32 v48, v6;
	v17 =	vld [tilespmem:s25+$0xC0D0];
	vm0 =	vgt.f32 v19, $0.0e+00;
	[tilespmem:$0x1FE30] =	vst v26;
	v26 =	vimm.s32 $0x0  }
0xf8: {  	v4 =	vadd.s32 v39, v4;
	v18 =	vld [tilespmem:s25+$0x40B0];
	v26 =	vsel vm0, $0xFFFFFFFF, v26;
	vm0 =	vgt.f32 v12, $0.0e+00  }
0xf9: {  	v20 =	vld [tilespmem:s25+$0xC0B0];
	v6 =	vadd.s32 v47, v6;
	[tilespmem:$0x1FDE0] =	vst v24;
	vm15 =	vgt.f32 v7, $0.0e+00;
	v27 =	vsel vm0, $0xFFFFFFFF, v27  }
0xfa: {  	v47 =	vadd.f32 v8, v7;
	v7 =	vld [tilespmem:$0x1FDE0];
	vm0 =	vgt.f32 v14, $0.0e+00;
	[tilespmem:$0x1FE50] =	vst v27;
	v27 =	vimm.s32 $0x0  }
0xfb: {  	v29 =	vimm.s32 $0x0;
	v11 =	vld [tilespmem:s25+$0x4090];
	v4 =	vadd.s32 v37, v4;
	v27 =	vsel vm0, $0xFFFFFFFF, v27  }
0xfc: {  	v40 =	vadd.f32 v14, v12;
	v12 =	vld [tilespmem:s25+$0x4010];
	vm0 =	vgt.f32 v17, $0.0e+00;
	[tilespmem:$0x1FE60] =	vst v27;
	v27 =	vimm.s32 $0x0  }
0xfd: {  	v4 =	vadd.s32 v32, v4;
	v14 =	vld [tilespmem:s25+$0xC010];
	v27 =	vsel vm0, $0xFFFFFFFF, v27;
	vm0 =	vgt.f32 v18, $0.0e+00  }
0xfe: {  	v31 =	vimm.s32 $0x0;
	v9 =	vld [tilespmem:s25+$0xC090];
	v4 =	vadd.s32 v30, v4;
	v29 =	vsel vm0, $0xFFFFFFFF, v29  }
0xff: {  	vm13 =	vnez.u8 v7;
	v7 =	vld [tilespmem:$0x1FDF0];
	vm0 =	vgt.f32 v20, $0.0e+00;
	[tilespmem:$0x1FE90] =	vst v29;
	v29 =	vimm.s32 $0x0  }
0x100: {  	v30 =	vadd.f32 v63, v55;
	v29 =	vsel vm0, $0xFFFFFFFF, v29;
	vm0 =	vgt.f32 v21, $0.0e+00  }
0x101: {  	v55 =	vimm.s32 $0x0;
	vm1 =	vgt.f32 v12, $0.0e+00;
	v31 =	vsel vm0, $0xFFFFFFFF, v31  }
0x102: {  	v63 =	vadd.f32 v14, v12;
	vm0 =	vgt.f32 v15, $0.0e+00;
	[tilespmem:$0x1FE80] =	vst v31;
	v31 =	vimm.s32 $0x0  }
0x103: {  	v12 =	vsel vm13, $0x1, v0;
	v31 =	vsel vm0, $0xFFFFFFFF, v31;
	vm0 =	vgt.f32 v11, $0.0e+00  }
0x104: {  	[tilespmem:$0x1FE10] =	vst v25;
	vm13 =	vnez.u8 v7;
	v7 =	vld [tilespmem:$0x1FE00];
	v33 =	vsel vm0, $0xFFFFFFFF, v55;
	vm0 =	vgt.f32 v9, $0.0e+00  }
0x105: {  	[tilespmem:$0x1FEC0] =	vst v33;
	v33 =	vsel vm0, $0xFFFFFFFF, v56;
	vm0 =	vgt.f32 v8, $0.0e+00;
	v8 =	vld [tilespmem:$0x1FE10]  }
0x106: {  	v44 =	vadd.f32 v9, v11;
	v9 =	vld [tilespmem:$0x1FE20]  }
0x107: {  	v37 =	vadd.f32 v23, v28;
	v28 =	vimm.s32 $0x0  }
0x108: {  	v13 =	vld [tilespmem:s25+$0xC070];
	v28 =	vsel vm0, $0xFFFFFFFF, v28  }
0x109: {  	v23 =	vld [tilespmem:s25+$0x4000];
	vm0 =	vgt.f32 v14, $0.0e+00;
	v14 =	vsel vm13, $0x1, v0;
	vm13 =	vnez.u8 v7  }
0x10a: {  	v39 =	vadd.f32 v17, v19;
	v17 =	vld [tilespmem:s25+$0xC000];
	v7 =	vsel vm13, $0x1, v0;
	vm13 =	vnez.u8 v8  }
0x10b: {  	v8 =	vsel vm13, $0x1, v0;
	vm13 =	vnez.u8 v9;
	v9 =	vld [tilespmem:$0x1FE30]  }
0x10c: {  	v10 =	vld [tilespmem:s25+$0x4070];
	_ =	sdelay $0x2  }
0x10d: {  	[tilespmem:$0x1FE40] =	vst v26;
	vm4 =	vgt.f32 v17, $0.0e+00  }
0x10e: {  	v62 =	vadd.f32 v17, v23;
	v17 =	vsel vm13, $0x1, v0;
	vm13 =	vnez.u8 v9;
	v9 =	vld [tilespmem:$0x1FE40]  }
0x10f: {  	vm12 =	vgt.f32 v10, $0.0e+00;
	v57 =	vadd.f32 v13, v10;
	v10 =	vld [tilespmem:$0x1FE50]  }
0x110: {  	v22 =	vld [tilespmem:s25+$0xC040]  }
0x111: {  	v16 =	vld [tilespmem:s25+$0x4040];
	v6 =	vadd.s32 v43, v6  }
0x112: {  	v6 =	vadd.s32 v42, v6;
	v24 =	vld [tilespmem:s25+$0x4050]  }
0x113: {  	v42 =	vadd.f32 v20, v18;
	v25 =	vld [tilespmem:s25+$0xC050];
	v18 =	vsel vm13, $0x1, v0;
	vm13 =	vnez.u8 v9  }
0x114: {  	v9 =	vsel vm13, $0x1, v0;
	vm13 =	vnez.u8 v10;
	v10 =	vld [tilespmem:$0x1FE60]  }
0x115: {  	v32 =	vadd.f32 v52, v51  }
0x116: {  	vm9 =	vgt.f32 v22, $0.0e+00;
	vm8 =	vgt.f32 v16, $0.0e+00;
	v43 =	vadd.f32 v15, v21  }
0x117: {  	v58 =	vadd.f32 v22, v16;
	v35 =	vsel vm9, $0x1, v0;
	vm14 =	vgt.f32 v13, $0.0e+00;
	v26 =	vld [tilespmem:s25+$0x4020]  }
0x118: {  	v22 =	vsel vm14, $0x1, v0;
	vm10 =	vgt.f32 v24, $0.0e+00;
	vm9 =	vgt.f32 v44, $0.0e+00;
	[tilespmem:$0x1FE70] =	vst v27  }
0x119: {  	vm11 =	vgt.f32 v25, $0.0e+00;
	v19 =	vsel vm13, $0x1, v0;
	vm13 =	vnez.u8 v10;
	v10 =	vld [tilespmem:$0x1FE70]  }
0x11a: {  	vm3 =	vgt.f32 v23, $0.0e+00;
	v59 =	vadd.f32 v25, v24;
	v25 =	vsel vm10, $0x1, v0;
	v11 =	vld [tilespmem:$0x1FE80]  }
0x11b: {  	vm10 =	vgt.f32 v42, $0.0e+00;
	v45 =	vsel vm3, $0x1, v0;
	vm3 =	vgt.f32 v30, $0.0e+00;
	v27 =	vld [tilespmem:s25+$0xC020]  }
0x11c: {  	v42 =	vsel vm3, $0x1, v0;
	vm2 =	vgt.f32 v26, $0.0e+00;
	v34 =	vsel vm1, $0x1, v0  }
0x11d: {  	v38 =	vsel vm2, $0x1, v0;
	vm2 =	vgt.f32 v63, $0.0e+00;
	v46 =	vsel vm4, $0x1, v0  }
0x11e: {  	[tilespmem:$0x1FEA0] =	vst v29;
	v29 =	vld [tilespmem:s25+$0x4030];
	vm4 =	vgt.f32 v32, $0.0e+00;
	v20 =	vsel vm13, $0x1, v0;
	vm13 =	vnez.u8 v10  }
0x11f: {  	vm1 =	vgt.f32 v62, $0.0e+00;
	v10 =	vsel vm13, $0x1, v0;
	vm13 =	vnez.u8 v11;
	v11 =	vld [tilespmem:$0x1FE90]  }
0x120: {  	v13 =	vld [tilespmem:$0x1FEA0];
	v30 =	vsel vm4, $0x1, v0;
	vm7 =	vgt.f32 v27, $0.0e+00;
	v60 =	vadd.f32 v27, v26;
	[tilespmem:$0x1FEB0] =	vst v31  }
0x121: {  	v26 =	vsel vm11, $0x1, v0;
	vm11 =	vgt.f32 v58, $0.0e+00;
	v41 =	vsel vm7, $0x1, v0;
	v15 =	vld [tilespmem:$0x1FEB0]  }
0x122: {  	vm7 =	vgt.f32 v39, $0.0e+00;
	v39 =	vsel vm9, $0x1, v0;
	v50 =	vsel vm11, $0x1, v0  }
0x123: {  	vm14 =	vgt.f32 v60, $0.0e+00;
	v32 =	vsel vm7, $0x1, v0;
	vm6 =	vgt.f32 v29, $0.0e+00  }
0x124: {  	v31 =	vld [tilespmem:s25+$0xC030];
	[tilespmem:$0x1FED0] =	vst v33;
	v33 =	vsel vm8, $0x1, v0;
	v23 =	vsel vm13, $0x1, v0;
	vm13 =	vnez.u8 v11  }
0x125: {  	vm8 =	vgt.f32 v43, $0.0e+00;
	v11 =	vsel vm13, $0x1, v0;
	vm13 =	vnez.u8 v13  }
0x126: {  	v51 =	vsel vm14, $0x1, v0;
	v13 =	vsel vm13, $0x1, v0;
	vm13 =	vnez.u8 v15;
	v15 =	vld [tilespmem:$0x1FEC0]  }
0x127: {  	[tilespmem:$0x1FEE0] =	vst v28;
	v16 =	vld [tilespmem:$0x1FED0];
	v28 =	vsel vm15, $0x1, v0;
	v27 =	vsel vm6, $0x1, v0;
	v36 =	vsel vm0, $0x1, v0  }
0x128: {  	vm6 =	vgt.f32 v37, $0.0e+00;
	vm15 =	vgt.f32 v59, $0.0e+00;
	v48 =	vsel vm8, $0x1, v0;
	v21 =	vld [tilespmem:$0x1FEE0]  }
0x129: {  	v37 =	vsel vm10, $0x1, v0;
	v43 =	vsel vm6, $0x1, v0;
	vm5 =	vgt.f32 v31, $0.0e+00  }
0x12a: {  	p0 =	sne.s32 s24, $0xFC00;
	v44 =	vsel vm15, $0x1, v0;
	v61 =	vadd.f32 v31, v29;
	v29 =	vsel vm5, $0x1, v0  }
.Ltmp1:
0x12b: {  	vm5 =	vgt.f32 v40, $0.0e+00;
	v24 =	vsel vm13, $0x1, v0;
	vm13 =	vnez.u8 v15;
	(pc) =	sbr.rel @p0 .LBB2_5-.Ltmp1, $4  }
0x12c: {  	vm0 =	vgt.f32 v61, $0.0e+00;
	v15 =	vsel vm13, $0x1, v0;
	vm13 =	vnez.u8 v16  }
0x12d: {  	v16 =	vsel vm13, $0x1, v0;
	vm13 =	vnez.u8 v21;
	v21 =	vsel vm12, $0x1, v0  }
0x12e: {  	vm12 =	vgt.f32 v47, $0.0e+00;
	v31 =	vsel vm13, $0x1, v0;
	vm13 =	vgt.f32 v57, $0.0e+00  }
0x12f: {  	s24 =	sadd.s32 $0x400, s24;
	v47 =	vsel vm5, $0x1, v0;
	v49 =	vsel vm12, $0x1, v0;
	v40 =	vsel vm13, $0x1, v0  }
0x130: {  	v52 =	vsel vm1, $0x1, v0;
	v53 =	vsel vm2, $0x1, v0;
	v54 =	vsel vm0, $0x1, v0  }
0x131: {  	v3 =	vadd.s32 v45, v3;
	v5 =	vadd.s32 v46, v5;
	v1 =	vadd.s32 v34, v1  }
0x132: {  	v2 =	vadd.s32 v36, v2;
	v6 =	vadd.s32 v52, v6;
	v3 =	vadd.s32 v38, v3  }
0x133: {  	v5 =	vadd.s32 v41, v5;
	v4 =	vadd.s32 v53, v4;
	v1 =	vadd.s32 v27, v1  }
0x134: {  	v2 =	vadd.s32 v29, v2;
	v6 =	vadd.s32 v51, v6;
	v3 =	vadd.s32 v33, v3  }
0x135: {  	v5 =	vadd.s32 v35, v5;
	v4 =	vadd.s32 v54, v4;
	v1 =	vadd.s32 v25, v1  }
0x136: {  	v2 =	vadd.s32 v26, v2;
	v6 =	vadd.s32 v50, v6;
	v3 =	vadd.s32 v28, v3  }
0x137: {  	v5 =	vadd.s32 v31, v5;
	v4 =	vadd.s32 v44, v4;
	v1 =	vadd.s32 v21, v1  }
0x138: {  	v2 =	vadd.s32 v22, v2;
	v6 =	vadd.s32 v49, v6;
	v3 =	vadd.s32 v23, v3  }
0x139: {  	v5 =	vadd.s32 v24, v5;
	v4 =	vadd.s32 v40, v4;
	v1 =	vadd.s32 v15, v1  }
0x13a: {  	s23 =	sadd.s32 $0x1, s23;
	v2 =	vadd.s32 v16, v2;
	v6 =	vadd.s32 v48, v6;
	v3 =	vadd.s32 v19, v3  }
0x13b: {  	p0 =	sne.s32 s23, $0x4;
	v5 =	vadd.s32 v20, v5;
	v4 =	vadd.s32 v39, v4;
	v1 =	vadd.s32 v11, v1  }
.Ltmp2:
0x13c: {  	v2 =	vadd.s32 v13, v2;
	v6 =	vadd.s32 v47, v6;
	v3 =	vadd.s32 v17, v3;
	(pc) =	sbr.rel @p0 .LBB2_2-.Ltmp2, $4  }
0x13d: {  	v5 =	vadd.s32 v18, v5;
	v4 =	vadd.s32 v37, v4;
	v1 =	vadd.s32 v9, v1  }
0x13e: {  	v2 =	vadd.s32 v10, v2;
	v62 =	vadd.s32 v43, v6;
	v6 =	vadd.s32 v12, v3  }
0x13f: {  	v5 =	vadd.s32 v14, v5;
	v63 =	vadd.s32 v32, v4;
	v4 =	vadd.s32 v7, v1  }
0x140: {  	v2 =	vadd.s32 v8, v2;
	v3 =	vadd.s32 v42, v62;
	v1 =	vadd.s32 v30, v63  }
0x141: {  	v4 =	vadd.s32 v6, v4  }
0x142: {  	v2 =	vadd.s32 v5, v2;
	s22 =	sadd.s32 $0x1, s22;
	[tilespmem:$0x10000] =	vst v4  }
0x143: {  	v1 =	vadd.s32 v3, v1;
	[tilespmem:$0x10010] =	vst v2;
	p0 =	sne.s32 s22, s11  }
.Ltmp3:
0x144: {  	[tilespmem:$0x10020] =	vst v1;
	(pc) =	sbr.rel @p0 .LBB2_1-.Ltmp3, $4  }
0x145: {  	[hbm4b:s10+s4] =	stream.linear.scatter [tilespmem:s20], [sflag:$0x5], $0x80, $0x38;
	[tilespmem:$0x10080] =	vst v63  }
0x146: {  	_ =	swait.ge [sflag:s21], $0x80  }
0x147: {  	[sflag:s21] =	ssyncset.done $0x0  }
0x148: {  	[sflag:s21] =	ssyncadd.s32 $0xFFFFFF80  }
0x149: {  	_ =	sfence.sel $0x180000  }
0x14a: {  	[bflag:$0x0] =	sbarrier.arrive $0xFFFF  }
0x14b: {  	p0 =	sne.s32 s0, $0x0;
	_ =	strace $0x90000047  }
0x14c: {  	s0 =	sadd.s32 @!p0 $0x100000, s2;
	[bflag:$0x2] =	sbarrier.arrive $0xFFFF  }
0x14d: {  	[sflag:s0] =	ssyncadd.tile.s32 @!p0 $0x1;
	_ =	shalt  }
.Lfunc_end2:
_tile_overlayer_lowered:
.L_overlay_start_2:
0x14e: {  	(tag) =	ssettag $0x2  }
0x14f: {  	s0 =	rddreg [dreg:$0x0];
	s2 =	stileid.u32  }
0x150: {  	s1 =	rddreg [dreg:$0x1];
	p0 =	sne.s32 s2, $0x0  }
0x151: {  	s3 =	rddreg [dreg:$0x2];
	[bflag:$0x3] =	sbarrier.arrive $0xFFFF;
	s2 =	simm.s32 @!p0 $0x1C05  }
0x152: {  	[timem:s3], [sflag:s2] =	dma.local @!p0 [hbm:s0], s1  }
0x153: {  	s0 =	simm.s32 @!p0 $0x5  }
0x154: {  	_ =	swait.ge @!p0 [sflag:s0], s1  }
0x155: {  	s1 =	ssub.s32 @!p0 $0x0, s1;
	[sflag:s0] =	ssyncset.done @!p0 $0x0  }
0x156: {  	[sflag:s0] =	ssyncadd.s32 @!p0 s1  }
0x157: {  	[bflag:$0x3] =	sbarrier.arrive $0xFFFF  }
0x158: {  	_ =	shalt  }

</sc_bundles>
